<compile_context>
chip_gen: v7x
topology: tpu7x:2x2x1
jax: 0.10.2.dev20260603
libtpu: 0.0.44.dev20260713+nightly
codegen_flags: <defaults>
</compile_context>

<pallas_src>
import functools

import jax
import jax.numpy as jnp
from jax import lax
from jax.experimental import pallas as pl
from jax.experimental.pallas import tpu as pltpu
from jax.experimental.pallas import tpu_sc as plsc

N = 10000
NPAD = 10240
NC, NS = 2, 16
NW = NC * NS
F = 16
RPS = NPAD // NS
CW = 5120


def _sc_pass(table, src_r, dst_r, zeros):
    nch = src_r.shape[1]
    tl_rows = N // NS
    mesh = plsc.VectorSubcoreMesh(core_axis_name="c", subcore_axis_name="s")

    @functools.partial(
        pl.kernel,
        out_type=jax.ShapeDtypeStruct((NC, NPAD, F), jnp.float32),
        mesh=mesh,
        compiler_params=pltpu.CompilerParams(use_tc_tiling_on_sc=False),
        scratch_types=[
            pltpu.VMEM((nch, CW), jnp.int32),
            pltpu.VMEM((nch, CW), jnp.int32),
            pltpu.VMEM((CW, F), jnp.float32),
            pltpu.VMEM_SHARED((N, F), jnp.float32),
            pltpu.VMEM_SHARED((NPAD, F), jnp.float32),
        ],
    )
    def k(table_hbm, src_hbm, dst_hbm, z_hbm, out_hbm,
          src_v, dst_v, msg_v, tbl, acc):
        c = lax.axis_index("c")
        s = lax.axis_index("s")
        w = s * NC + c
        pltpu.sync_copy(src_hbm.at[w], src_v)
        pltpu.sync_copy(dst_hbm.at[w], dst_v)
        pltpu.sync_copy(table_hbm.at[pl.ds(s * tl_rows, tl_rows)],
                        tbl.at[pl.ds(s * tl_rows, tl_rows)])
        pltpu.sync_copy(z_hbm.at[pl.ds(s * RPS, RPS)], acc.at[pl.ds(s * RPS, RPS)])
        plsc.subcore_barrier()

        @pl.loop(0, nch)
        def _(j):
            pltpu.sync_copy(tbl.at[src_v.at[j]], msg_v)
            pltpu.sync_copy(msg_v, acc.at[dst_v.at[j]], add=True)

        plsc.subcore_barrier()
        pltpu.sync_copy(acc.at[pl.ds(s * RPS, RPS)],
                        out_hbm.at[c].at[pl.ds(s * RPS, RPS)])

    return k(table, src_r, dst_r, zeros)


def _sc_deg_pass(ones, dst_r, zeros):
    nch = dst_r.shape[1]
    mesh = plsc.VectorSubcoreMesh(core_axis_name="c", subcore_axis_name="s")

    @functools.partial(
        pl.kernel,
        out_type=jax.ShapeDtypeStruct((NC, NPAD, F), jnp.float32),
        mesh=mesh,
        compiler_params=pltpu.CompilerParams(use_tc_tiling_on_sc=False),
        scratch_types=[
            pltpu.VMEM((nch, CW), jnp.int32),
            pltpu.VMEM((CW, F), jnp.float32),
            pltpu.VMEM_SHARED((NPAD, F), jnp.float32),
        ],
    )
    def k(ones_hbm, dst_hbm, z_hbm, out_hbm, dst_v, ones_v, acc):
        c = lax.axis_index("c")
        s = lax.axis_index("s")
        w = s * NC + c
        pltpu.sync_copy(dst_hbm.at[w], dst_v)
        pltpu.sync_copy(ones_hbm, ones_v)
        pltpu.sync_copy(z_hbm.at[pl.ds(s * RPS, RPS)], acc.at[pl.ds(s * RPS, RPS)])
        plsc.subcore_barrier()

        @pl.loop(0, nch)
        def _(j):
            pltpu.sync_copy(ones_v, acc.at[dst_v.at[j]], add=True)

        plsc.subcore_barrier()
        pltpu.sync_copy(acc.at[pl.ds(s * RPS, RPS)],
                        out_hbm.at[c].at[pl.ds(s * RPS, RPS)])

    return k(ones, dst_r, zeros)


_BLK = 2000
_GRID = N // _BLK


def _row_spec(width):
    return pl.BlockSpec((_BLK, width), lambda i: (i, 0))


def _pair_spec(width):
    return pl.BlockSpec((NC, _BLK, width), lambda i: (0, i, 0))


def _full_spec(a, b):
    return pl.BlockSpec((a, b), lambda i: (0, 0))


def _elu(x):
    return jnp.where(x > 0, x, jnp.exp(jnp.minimum(x, 0.0)) - 1.0)


def _tc_deg_finish(degp, x, W1):
    def body(d_ref, x_ref, w_ref, dinv_ref, z_ref):
        deg = 1.0 + d_ref[0, :, 0:1] + d_ref[1, :, 0:1]
        dinv = lax.rsqrt(deg)
        dinv_ref[...] = jnp.broadcast_to(dinv, (_BLK, F))
        xw = jnp.dot(x_ref[...], w_ref[...], preferred_element_type=jnp.float32)
        z_ref[...] = xw * dinv

    return pl.pallas_call(
        body,
        grid=(_GRID,),
        in_specs=[_pair_spec(F), _row_spec(128), _full_spec(128, F)],
        out_specs=[_row_spec(F), _row_spec(F)],
        out_shape=[jax.ShapeDtypeStruct((N, F), jnp.float32),
                   jax.ShapeDtypeStruct((N, F), jnp.float32)],
    )(degp, x, W1)


def _tc_layer_mid(q, z, dinv16, b, Wn):
    def body(q_ref, z_ref, dinv_ref, b_ref, w_ref, o_ref):
        u = q_ref[0] + q_ref[1] + z_ref[...]
        h = _elu(dinv_ref[...] * u + b_ref[...])
        o = jnp.dot(h, w_ref[...], preferred_element_type=jnp.float32)
        o_ref[...] = o * dinv_ref[...]

    return pl.pallas_call(
        body,
        grid=(_GRID,),
        in_specs=[_pair_spec(F), _row_spec(F), _row_spec(F),
                  _full_spec(1, F), _full_spec(F, F)],
        out_specs=_row_spec(F),
        out_shape=jax.ShapeDtypeStruct((N, F), jnp.float32),
    )(q, z, dinv16, b, Wn)


def _tc_layer2_scale(q, z, dinv16, b):
    def body(q_ref, z_ref, dinv_ref, b_ref, o_ref):
        u = q_ref[0] + q_ref[1] + z_ref[...]
        h = _elu(dinv_ref[...] * u + b_ref[...])
        o_ref[...] = h * dinv_ref[...]

    return pl.pallas_call(
        body,
        grid=(_GRID,),
        in_specs=[_pair_spec(F), _row_spec(F), _row_spec(F), _full_spec(1, F)],
        out_specs=_row_spec(F),
        out_shape=jax.ShapeDtypeStruct((N, F), jnp.float32),
    )(q, z, dinv16, b)


def _tc_final(q, g3, dinv16, b3, W3):
    K = W3.shape[1]

    def body(q_ref, g_ref, dinv_ref, b_ref, w_ref, o_ref):
        v = q_ref[0] + q_ref[1] + g_ref[...]
        m = jnp.dot(v, w_ref[...], preferred_element_type=jnp.float32)
        h = _elu(dinv_ref[:, 0:1] * m + b_ref[...])
        mx = jnp.max(h, axis=1, keepdims=True)
        e = jnp.exp(h - mx)
        lse = jnp.log(jnp.sum(e, axis=1, keepdims=True))
        o_ref[...] = h - mx - lse

    return pl.pallas_call(
        body,
        grid=(_GRID,),
        in_specs=[_pair_spec(F), _row_spec(F), _row_spec(F),
                  _full_spec(1, K), _full_spec(F, K)],
        out_specs=_row_spec(K),
        out_shape=jax.ShapeDtypeStruct((N, K), jnp.float32),
    )(q, g3, dinv16, b3, W3)


@jax.jit
def kernel(x, edge_index, W1, b1, W2, b2, W3, b3):
    ei = edge_index.astype(jnp.int32)
    E = ei.shape[1]
    nch = -(-E // (NW * CW))
    e_pad = nch * CW * NW
    pad = e_pad - E
    src = jnp.concatenate(
        [ei[0], jnp.zeros((pad,), jnp.int32)]).reshape(NW, nch, CW)
    dst = jnp.concatenate(
        [ei[1], N + (jnp.arange(pad, dtype=jnp.int32) % (NPAD - N))]
    ).reshape(NW, nch, CW)

    zeros = jnp.zeros((NPAD, F), jnp.float32)
    ones = jnp.ones((CW, F), jnp.float32)
    b1r, b2r = b1.reshape(1, F), b2.reshape(1, F)
    b3r = b3.reshape(1, W3.shape[1])

    degp = _sc_deg_pass(ones, dst, zeros)
    dinv16, z1 = _tc_deg_finish(degp, x, W1)
    q1 = _sc_pass(z1, src, dst, zeros)
    z2 = _tc_layer_mid(q1, z1, dinv16, b1r, W2)
    q2 = _sc_pass(z2, src, dst, zeros)
    g3 = _tc_layer2_scale(q2, z2, dinv16, b2r)
    q3 = _sc_pass(g3, src, dst, zeros)
    return _tc_final(q3, g3, dinv16, b3r, W3)

# --- scband reference (transcript-rebuilt; emitter-appended) ---
"""Pipeline reference for scband-gcn-25134148616642 (READ-ONLY COPY).

The authoritative reference and input builder live on the scoring server;
editing this copy changes nothing except your own understanding.
"""

import jax, jax.numpy as jnp
import numpy as np

N_NODES = 10000


def gcn_conv(x, edge_index, W, b):
    n = x.shape[0]
    loop = jnp.arange(n, dtype=edge_index.dtype)
    src = jnp.concatenate([edge_index[0], loop])
    dst = jnp.concatenate([edge_index[1], loop])
    xw = x @ W
    deg = jnp.zeros((n,), dtype=xw.dtype).at[dst].add(1.0)
    dinv = jax.lax.rsqrt(jnp.maximum(deg, 1.0))
    norm = dinv[src] * dinv[dst]
    msg = xw[src] * norm[:, None]
    out = jnp.zeros((n, xw.shape[1]), dtype=xw.dtype).at[dst].add(msg)
    return out + b


def setup_inputs(seed: int = 0) -> dict:
    key = jax.random.key(seed)
    ks = jax.random.split(key, 8)
    x = jax.random.normal(ks[0], (N_NODES, 128), dtype=jnp.float32)
    edge_index = jax.random.randint(ks[1], (2, 320000), 0, N_NODES, dtype=jnp.int64)
    W1 = jax.random.normal(ks[2], (128, 16), dtype=jnp.float32) * (1.0 / np.sqrt(128))
    b1 = jnp.zeros((16,), dtype=jnp.float32)
    W2 = jax.random.normal(ks[3], (16, 16), dtype=jnp.float32) * (1.0 / np.sqrt(16))
    b2 = jnp.zeros((16,), dtype=jnp.float32)
    W3 = jax.random.normal(ks[4], (16, 40), dtype=jnp.float32) * (1.0 / np.sqrt(16))
    b3 = jnp.zeros((40,), dtype=jnp.float32)
    return {"x": x, "edge_index": edge_index, "W1": W1, "b1": b1, "W2": W2, "b2": b2, "W3": W3, "b3": b3}


def reference(x, edge_index, W1, b1, W2, b2, W3, b3):
    # eval mode: dropout(p=0.4, training=False) is identity
    h = gcn_conv(x, edge_index, W1, b1)
    h = jax.nn.elu(h)
    h = gcn_conv(h, edge_index, W2, b2)
    h = jax.nn.elu(h)
    h = gcn_conv(h, edge_index, W3, b3)
    h = jax.nn.elu(h)
    return jax.nn.log_softmax(h, axis=1)

if __name__ == "__main__":
    import jax
    _d = setup_inputs()
    print(jax.jit(kernel)(*tuple(_d.values())))

</pallas_src>

<mosaic_0001>
#map = affine_map<(d0, d1) -> (0, 0)>
#map1 = affine_map<(d0, d1) -> (0, 0, 0)>
module attributes {stable_mosaic.version = 14 : i64} {
  func.func @k(%arg0: i32, %arg1: i32, %arg2: memref<5120x16xf32, #tpu.memory_space<hbm>>, %arg3: memref<32x2x5120xi32, #tpu.memory_space<hbm>>, %arg4: memref<10240x16xf32, #tpu.memory_space<hbm>>, %arg5: memref<2x10240x16xf32, #tpu.memory_space<hbm>>, %arg6: memref<2x5120xi32, #tpu.memory_space<vmem>>, %arg7: memref<5120x16xf32, #tpu.memory_space<vmem>>, %arg8: memref<10240x16xf32, #tpu.memory_space<vmem_shared>>) attributes {dimension_semantics = [#tpu.dimension_semantics<core_parallel>, #tpu.dimension_semantics<subcore_parallel>], iteration_bounds = array<i64: 2, 16>, scalar_prefetch = 0 : i64, scratch_operands = 3 : i64, tpu.core_type = #tpu.core_type<sc_vector_subcore>, window_params = [{transform_indices = #map}, {transform_indices = #map1}, {transform_indices = #map}, {transform_indices = #map1}]} {
    %mul3A = arith.constant 2 : i32
    %mul3A_0 = arith.muli %arg1, %mul3A : i32
    %add3A = arith.addi %mul3A_0, %arg0 : i32
    "tpu.region"() ({
      %run_scoped3A = tpu.sem_alloc : memref<!tpu.dma_semaphore, #tpu.memory_space<semaphore_mem>>
      %dma_start3A = arith.constant 0 : i32
      %dma_start3A_14 = arith.constant 0 : i32
      %dma_start3A_15 = tpu.memref_slice %arg3[%add3A, %dma_start3A, %dma_start3A_14] : memref<32x2x5120xi32, #tpu.memory_space<hbm>> -> memref<1x2x5120xi32, #tpu.memory_space<hbm>>
      %dma_start3A_16 = tpu.memref_squeeze %dma_start3A_15 : memref<1x2x5120xi32, #tpu.memory_space<hbm>> -> memref<2x5120xi32, #tpu.memory_space<hbm>>
      %dma_start3A_17 = arith.constant 0 : i32
      %dma_start3A_18 = arith.constant 0 : i32
      %dma_start3A_19 = tpu.memref_slice %arg3[%add3A, %dma_start3A_17, %dma_start3A_18] : memref<32x2x5120xi32, #tpu.memory_space<hbm>> -> memref<1x2x5120xi32, #tpu.memory_space<hbm>>
      %dma_start3A_20 = tpu.memref_squeeze %dma_start3A_19 : memref<1x2x5120xi32, #tpu.memory_space<hbm>> -> memref<2x5120xi32, #tpu.memory_space<hbm>>
      tpu.enqueue_dma source(%dma_start3A_20 : memref<2x5120xi32, #tpu.memory_space<hbm>>) target(%arg6 : memref<2x5120xi32, #tpu.memory_space<vmem>>) target_semaphore(%run_scoped3A : memref<!tpu.dma_semaphore, #tpu.memory_space<semaphore_mem>>)
      %dma_wait3A = arith.constant 0 : i32
      %dma_wait3A_21 = arith.constant 0 : i32
      %dma_wait3A_22 = tpu.memref_slice %arg3[%add3A, %dma_wait3A, %dma_wait3A_21] : memref<32x2x5120xi32, #tpu.memory_space<hbm>> -> memref<1x2x5120xi32, #tpu.memory_space<hbm>>
      %dma_wait3A_23 = tpu.memref_squeeze %dma_wait3A_22 : memref<1x2x5120xi32, #tpu.memory_space<hbm>> -> memref<2x5120xi32, #tpu.memory_space<hbm>>
      %dma_wait3A_24 = arith.constant 0 : i32
      %dma_wait3A_25 = arith.constant 0 : i32
      %dma_wait3A_26 = tpu.memref_slice %arg3[%add3A, %dma_wait3A_24, %dma_wait3A_25] : memref<32x2x5120xi32, #tpu.memory_space<hbm>> -> memref<1x2x5120xi32, #tpu.memory_space<hbm>>
      %dma_wait3A_27 = tpu.memref_squeeze %dma_wait3A_26 : memref<1x2x5120xi32, #tpu.memory_space<hbm>> -> memref<2x5120xi32, #tpu.memory_space<hbm>>
      tpu.wait_dma2 semaphore(%run_scoped3A : memref<!tpu.dma_semaphore, #tpu.memory_space<semaphore_mem>>) src(%dma_wait3A_27 : memref<2x5120xi32, #tpu.memory_space<hbm>>) dst(%arg6 : memref<2x5120xi32, #tpu.memory_space<vmem>>)
      tpu.yield
    }) : () -> ()
    "tpu.region"() ({
      %run_scoped3A = tpu.sem_alloc : memref<!tpu.dma_semaphore, #tpu.memory_space<semaphore_mem>>
      tpu.enqueue_dma source(%arg2 : memref<5120x16xf32, #tpu.memory_space<hbm>>) target(%arg7 : memref<5120x16xf32, #tpu.memory_space<vmem>>) target_semaphore(%run_scoped3A : memref<!tpu.dma_semaphore, #tpu.memory_space<semaphore_mem>>)
      tpu.wait_dma2 semaphore(%run_scoped3A : memref<!tpu.dma_semaphore, #tpu.memory_space<semaphore_mem>>) src(%arg2 : memref<5120x16xf32, #tpu.memory_space<hbm>>) dst(%arg7 : memref<5120x16xf32, #tpu.memory_space<vmem>>)
      tpu.yield
    }) : () -> ()
    %mul3A_1 = arith.constant 640 : i32
    %mul3A_2 = arith.muli %arg1, %mul3A_1 : i32
    %mul3A_3 = arith.constant 640 : i32
    %mul3A_4 = arith.muli %arg1, %mul3A_3 : i32
    "tpu.region"() ({
      %run_scoped3A = tpu.sem_alloc : memref<!tpu.dma_semaphore, #tpu.memory_space<semaphore_mem>>
      %dma_start3A = arith.constant 0 : i32
      %dma_start3A_14 = tpu.memref_slice %arg8[%mul3A_4, %dma_start3A] : memref<10240x16xf32, #tpu.memory_space<vmem_shared>> -> memref<640x16xf32, #tpu.memory_space<vmem_shared>>
      %dma_start3A_15 = arith.constant 0 : i32
      %dma_start3A_16 = tpu.memref_slice %arg4[%mul3A_2, %dma_start3A_15] : memref<10240x16xf32, #tpu.memory_space<hbm>> -> memref<640x16xf32, #tpu.memory_space<hbm>>
      tpu.enqueue_dma source(%dma_start3A_16 : memref<640x16xf32, #tpu.memory_space<hbm>>) target(%dma_start3A_14 : memref<640x16xf32, #tpu.memory_space<vmem_shared>>) target_semaphore(%run_scoped3A : memref<!tpu.dma_semaphore, #tpu.memory_space<semaphore_mem>>)
      %dma_wait3A = arith.constant 0 : i32
      %dma_wait3A_17 = tpu.memref_slice %arg8[%mul3A_4, %dma_wait3A] : memref<10240x16xf32, #tpu.memory_space<vmem_shared>> -> memref<640x16xf32, #tpu.memory_space<vmem_shared>>
      %dma_wait3A_18 = arith.constant 0 : i32
      %dma_wait3A_19 = tpu.memref_slice %arg4[%mul3A_2, %dma_wait3A_18] : memref<10240x16xf32, #tpu.memory_space<hbm>> -> memref<640x16xf32, #tpu.memory_space<hbm>>
      tpu.wait_dma2 semaphore(%run_scoped3A : memref<!tpu.dma_semaphore, #tpu.memory_space<semaphore_mem>>) src(%dma_wait3A_19 : memref<640x16xf32, #tpu.memory_space<hbm>>) dst(%dma_wait3A_17 : memref<640x16xf32, #tpu.memory_space<vmem_shared>>)
      tpu.yield
    }) : () -> ()
    %barrier3A = arith.constant 0 : index
    tpu.barrier barrier_id(%barrier3A)
    %scan3A = arith.constant 0 : i32
    %scan3A_5 = arith.constant 2 : i32
    %scan3A_6 = arith.addi %scan3A, %scan3A_5 : i32
    %scan3A_7 = arith.constant 1 : i32
    scf.for %scan3A_14 = %scan3A to %scan3A_6 step %scan3A_7  : i32 {
      %mul3A_15 = arith.constant 1 : i32
      %mul3A_16 = arith.muli %scan3A_14, %mul3A_15 : i32
      %add3A_17 = arith.constant 0 : i32
      %add3A_18 = arith.addi %add3A_17, %mul3A_16 : i32
      "tpu.region"() ({
        %run_scoped3A = tpu.sem_alloc : memref<!tpu.dma_semaphore, #tpu.memory_space<semaphore_mem>>
        %dma_start3A = arith.constant 0 : i32
        %dma_start3A_19 = tpu.memref_slice %arg6[%add3A_18, %dma_start3A] : memref<2x5120xi32, #tpu.memory_space<vmem>> -> memref<1x5120xi32, #tpu.memory_space<vmem>>
        %dma_start3A_20 = tpu.memref_squeeze %dma_start3A_19 : memref<1x5120xi32, #tpu.memory_space<vmem>> -> memref<5120xi32, #tpu.memory_space<vmem>>
        %dma_start3A_21 = arith.constant 0 : i32
        %dma_start3A_22 = arith.constant 0 : i32
        %dma_start3A_23 = tpu.memref_slice %arg8[%dma_start3A_21, %dma_start3A_22] : memref<10240x16xf32, #tpu.memory_space<vmem_shared>> -> memref<10240x16xf32, #tpu.memory_space<vmem_shared>>
        tpu.enqueue_indirect_dma source(%arg7 : memref<5120x16xf32, #tpu.memory_space<vmem>>) target(%dma_start3A_23 : memref<10240x16xf32, #tpu.memory_space<vmem_shared>>) offsets(%dma_start3A_20 : memref<5120xi32, #tpu.memory_space<vmem>>) semaphore(%run_scoped3A : memref<!tpu.dma_semaphore, #tpu.memory_space<semaphore_mem>>) {add = true}
        %dma_wait3A = arith.constant 0 : i32
        %dma_wait3A_24 = tpu.memref_slice %arg6[%add3A_18, %dma_wait3A] : memref<2x5120xi32, #tpu.memory_space<vmem>> -> memref<1x5120xi32, #tpu.memory_space<vmem>>
        %dma_wait3A_25 = tpu.memref_squeeze %dma_wait3A_24 : memref<1x5120xi32, #tpu.memory_space<vmem>> -> memref<5120xi32, #tpu.memory_space<vmem>>
        %dma_wait3A_26 = arith.constant 0 : i32
        %dma_wait3A_27 = arith.constant 0 : i32
        %dma_wait3A_28 = tpu.memref_slice %arg8[%dma_wait3A_26, %dma_wait3A_27] : memref<10240x16xf32, #tpu.memory_space<vmem_shared>> -> memref<10240x16xf32, #tpu.memory_space<vmem_shared>>
        tpu.wait_indirect_dma semaphore(%run_scoped3A : memref<!tpu.dma_semaphore, #tpu.memory_space<semaphore_mem>>) src(%arg7 : memref<5120x16xf32, #tpu.memory_space<vmem>>) dst(%dma_wait3A_28 : memref<10240x16xf32, #tpu.memory_space<vmem_shared>>)
        tpu.yield
      }) : () -> ()
    }
    %scan3A_8 = arith.constant 2 : i32
    %barrier3A_9 = arith.constant 0 : index
    tpu.barrier barrier_id(%barrier3A_9)
    %mul3A_10 = arith.constant 640 : i32
    %mul3A_11 = arith.muli %arg1, %mul3A_10 : i32
    %mul3A_12 = arith.constant 640 : i32
    %mul3A_13 = arith.muli %arg1, %mul3A_12 : i32
    "tpu.region"() ({
      %run_scoped3A = tpu.sem_alloc : memref<!tpu.dma_semaphore, #tpu.memory_space<semaphore_mem>>
      %dma_start3A = arith.constant 0 : i32
      %dma_start3A_14 = arith.constant 0 : i32
      %dma_start3A_15 = tpu.memref_slice %arg5[%arg0, %dma_start3A, %dma_start3A_14] : memref<2x10240x16xf32, #tpu.memory_space<hbm>> -> memref<1x10240x16xf32, #tpu.memory_space<hbm>>
      %dma_start3A_16 = tpu.memref_squeeze %dma_start3A_15 : memref<1x10240x16xf32, #tpu.memory_space<hbm>> -> memref<10240x16xf32, #tpu.memory_space<hbm>>
      %dma_start3A_17 = arith.constant 0 : i32
      %dma_start3A_18 = tpu.memref_slice %dma_start3A_16[%mul3A_13, %dma_start3A_17] : memref<10240x16xf32, #tpu.memory_space<hbm>> -> memref<640x16xf32, #tpu.memory_space<hbm>>
      %dma_start3A_19 = arith.constant 0 : i32
      %dma_start3A_20 = tpu.memref_slice %arg8[%mul3A_11, %dma_start3A_19] : memref<10240x16xf32, #tpu.memory_space<vmem_shared>> -> memref<640x16xf32, #tpu.memory_space<vmem_shared>>
      tpu.enqueue_dma source(%dma_start3A_20 : memref<640x16xf32, #tpu.memory_space<vmem_shared>>) target(%dma_start3A_18 : memref<640x16xf32, #tpu.memory_space<hbm>>) target_semaphore(%run_scoped3A : memref<!tpu.dma_semaphore, #tpu.memory_space<semaphore_mem>>)
      %dma_wait3A = arith.constant 0 : i32
      %dma_wait3A_21 = arith.constant 0 : i32
      %dma_wait3A_22 = tpu.memref_slice %arg5[%arg0, %dma_wait3A, %dma_wait3A_21] : memref<2x10240x16xf32, #tpu.memory_space<hbm>> -> memref<1x10240x16xf32, #tpu.memory_space<hbm>>
      %dma_wait3A_23 = tpu.memref_squeeze %dma_wait3A_22 : memref<1x10240x16xf32, #tpu.memory_space<hbm>> -> memref<10240x16xf32, #tpu.memory_space<hbm>>
      %dma_wait3A_24 = arith.constant 0 : i32
      %dma_wait3A_25 = tpu.memref_slice %dma_wait3A_23[%mul3A_13, %dma_wait3A_24] : memref<10240x16xf32, #tpu.memory_space<hbm>> -> memref<640x16xf32, #tpu.memory_space<hbm>>
      %dma_wait3A_26 = arith.constant 0 : i32
      %dma_wait3A_27 = tpu.memref_slice %arg8[%mul3A_11, %dma_wait3A_26] : memref<10240x16xf32, #tpu.memory_space<vmem_shared>> -> memref<640x16xf32, #tpu.memory_space<vmem_shared>>
      tpu.wait_dma2 semaphore(%run_scoped3A : memref<!tpu.dma_semaphore, #tpu.memory_space<semaphore_mem>>) src(%dma_wait3A_27 : memref<640x16xf32, #tpu.memory_space<vmem_shared>>) dst(%dma_wait3A_25 : memref<640x16xf32, #tpu.memory_space<hbm>>)
      tpu.yield
    }) : () -> ()
    return
  }
}

#map = affine_map<(d0, d1) -> (0, 0)>
#map1 = affine_map<(d0, d1) -> (0, 0, 0)>
module attributes {stable_mosaic.version = 14 : i64} {
  func.func @k(%arg0: i32, %arg1: i32, %arg2: memref<10000x16xf32, #tpu.memory_space<hbm>>, %arg3: memref<32x2x5120xi32, #tpu.memory_space<hbm>>, %arg4: memref<32x2x5120xi32, #tpu.memory_space<hbm>>, %arg5: memref<10240x16xf32, #tpu.memory_space<hbm>>, %arg6: memref<2x10240x16xf32, #tpu.memory_space<hbm>>, %arg7: memref<2x5120xi32, #tpu.memory_space<vmem>>, %arg8: memref<2x5120xi32, #tpu.memory_space<vmem>>, %arg9: memref<5120x16xf32, #tpu.memory_space<vmem>>, %arg10: memref<10000x16xf32, #tpu.memory_space<vmem_shared>>, %arg11: memref<10240x16xf32, #tpu.memory_space<vmem_shared>>) attributes {dimension_semantics = [#tpu.dimension_semantics<core_parallel>, #tpu.dimension_semantics<subcore_parallel>], iteration_bounds = array<i64: 2, 16>, scalar_prefetch = 0 : i64, scratch_operands = 5 : i64, tpu.core_type = #tpu.core_type<sc_vector_subcore>, window_params = [{transform_indices = #map}, {transform_indices = #map1}, {transform_indices = #map1}, {transform_indices = #map}, {transform_indices = #map1}]} {
    %mul3A = arith.constant 2 : i32
    %mul3A_0 = arith.muli %arg1, %mul3A : i32
    %add3A = arith.addi %mul3A_0, %arg0 : i32
    "tpu.region"() ({
      %run_scoped3A = tpu.sem_alloc : memref<!tpu.dma_semaphore, #tpu.memory_space<semaphore_mem>>
      %dma_start3A = arith.constant 0 : i32
      %dma_start3A_18 = arith.constant 0 : i32
      %dma_start3A_19 = tpu.memref_slice %arg3[%add3A, %dma_start3A, %dma_start3A_18] : memref<32x2x5120xi32, #tpu.memory_space<hbm>> -> memref<1x2x5120xi32, #tpu.memory_space<hbm>>
      %dma_start3A_20 = tpu.memref_squeeze %dma_start3A_19 : memref<1x2x5120xi32, #tpu.memory_space<hbm>> -> memref<2x5120xi32, #tpu.memory_space<hbm>>
      %dma_start3A_21 = arith.constant 0 : i32
      %dma_start3A_22 = arith.constant 0 : i32
      %dma_start3A_23 = tpu.memref_slice %arg3[%add3A, %dma_start3A_21, %dma_start3A_22] : memref<32x2x5120xi32, #tpu.memory_space<hbm>> -> memref<1x2x5120xi32, #tpu.memory_space<hbm>>
      %dma_start3A_24 = tpu.memref_squeeze %dma_start3A_23 : memref<1x2x5120xi32, #tpu.memory_space<hbm>> -> memref<2x5120xi32, #tpu.memory_space<hbm>>
      tpu.enqueue_dma source(%dma_start3A_24 : memref<2x5120xi32, #tpu.memory_space<hbm>>) target(%arg7 : memref<2x5120xi32, #tpu.memory_space<vmem>>) target_semaphore(%run_scoped3A : memref<!tpu.dma_semaphore, #tpu.memory_space<semaphore_mem>>)
      %dma_wait3A = arith.constant 0 : i32
      %dma_wait3A_25 = arith.constant 0 : i32
      %dma_wait3A_26 = tpu.memref_slice %arg3[%add3A, %dma_wait3A, %dma_wait3A_25] : memref<32x2x5120xi32, #tpu.memory_space<hbm>> -> memref<1x2x5120xi32, #tpu.memory_space<hbm>>
      %dma_wait3A_27 = tpu.memref_squeeze %dma_wait3A_26 : memref<1x2x5120xi32, #tpu.memory_space<hbm>> -> memref<2x5120xi32, #tpu.memory_space<hbm>>
      %dma_wait3A_28 = arith.constant 0 : i32
      %dma_wait3A_29 = arith.constant 0 : i32
      %dma_wait3A_30 = tpu.memref_slice %arg3[%add3A, %dma_wait3A_28, %dma_wait3A_29] : memref<32x2x5120xi32, #tpu.memory_space<hbm>> -> memref<1x2x5120xi32, #tpu.memory_space<hbm>>
      %dma_wait3A_31 = tpu.memref_squeeze %dma_wait3A_30 : memref<1x2x5120xi32, #tpu.memory_space<hbm>> -> memref<2x5120xi32, #tpu.memory_space<hbm>>
      tpu.wait_dma2 semaphore(%run_scoped3A : memref<!tpu.dma_semaphore, #tpu.memory_space<semaphore_mem>>) src(%dma_wait3A_31 : memref<2x5120xi32, #tpu.memory_space<hbm>>) dst(%arg7 : memref<2x5120xi32, #tpu.memory_space<vmem>>)
      tpu.yield
    }) : () -> ()
    "tpu.region"() ({
      %run_scoped3A = tpu.sem_alloc : memref<!tpu.dma_semaphore, #tpu.memory_space<semaphore_mem>>
      %dma_start3A = arith.constant 0 : i32
      %dma_start3A_18 = arith.constant 0 : i32
      %dma_start3A_19 = tpu.memref_slice %arg4[%add3A, %dma_start3A, %dma_start3A_18] : memref<32x2x5120xi32, #tpu.memory_space<hbm>> -> memref<1x2x5120xi32, #tpu.memory_space<hbm>>
      %dma_start3A_20 = tpu.memref_squeeze %dma_start3A_19 : memref<1x2x5120xi32, #tpu.memory_space<hbm>> -> memref<2x5120xi32, #tpu.memory_space<hbm>>
      %dma_start3A_21 = arith.constant 0 : i32
      %dma_start3A_22 = arith.constant 0 : i32
      %dma_start3A_23 = tpu.memref_slice %arg4[%add3A, %dma_start3A_21, %dma_start3A_22] : memref<32x2x5120xi32, #tpu.memory_space<hbm>> -> memref<1x2x5120xi32, #tpu.memory_space<hbm>>
      %dma_start3A_24 = tpu.memref_squeeze %dma_start3A_23 : memref<1x2x5120xi32, #tpu.memory_space<hbm>> -> memref<2x5120xi32, #tpu.memory_space<hbm>>
      tpu.enqueue_dma source(%dma_start3A_24 : memref<2x5120xi32, #tpu.memory_space<hbm>>) target(%arg8 : memref<2x5120xi32, #tpu.memory_space<vmem>>) target_semaphore(%run_scoped3A : memref<!tpu.dma_semaphore, #tpu.memory_space<semaphore_mem>>)
      %dma_wait3A = arith.constant 0 : i32
      %dma_wait3A_25 = arith.constant 0 : i32
      %dma_wait3A_26 = tpu.memref_slice %arg4[%add3A, %dma_wait3A, %dma_wait3A_25] : memref<32x2x5120xi32, #tpu.memory_space<hbm>> -> memref<1x2x5120xi32, #tpu.memory_space<hbm>>
      %dma_wait3A_27 = tpu.memref_squeeze %dma_wait3A_26 : memref<1x2x5120xi32, #tpu.memory_space<hbm>> -> memref<2x5120xi32, #tpu.memory_space<hbm>>
      %dma_wait3A_28 = arith.constant 0 : i32
      %dma_wait3A_29 = arith.constant 0 : i32
      %dma_wait3A_30 = tpu.memref_slice %arg4[%add3A, %dma_wait3A_28, %dma_wait3A_29] : memref<32x2x5120xi32, #tpu.memory_space<hbm>> -> memref<1x2x5120xi32, #tpu.memory_space<hbm>>
      %dma_wait3A_31 = tpu.memref_squeeze %dma_wait3A_30 : memref<1x2x5120xi32, #tpu.memory_space<hbm>> -> memref<2x5120xi32, #tpu.memory_space<hbm>>
      tpu.wait_dma2 semaphore(%run_scoped3A : memref<!tpu.dma_semaphore, #tpu.memory_space<semaphore_mem>>) src(%dma_wait3A_31 : memref<2x5120xi32, #tpu.memory_space<hbm>>) dst(%arg8 : memref<2x5120xi32, #tpu.memory_space<vmem>>)
      tpu.yield
    }) : () -> ()
    %mul3A_1 = arith.constant 625 : i32
    %mul3A_2 = arith.muli %arg1, %mul3A_1 : i32
    %mul3A_3 = arith.constant 625 : i32
    %mul3A_4 = arith.muli %arg1, %mul3A_3 : i32
    "tpu.region"() ({
      %run_scoped3A = tpu.sem_alloc : memref<!tpu.dma_semaphore, #tpu.memory_space<semaphore_mem>>
      %dma_start3A = arith.constant 0 : i32
      %dma_start3A_18 = tpu.memref_slice %arg10[%mul3A_4, %dma_start3A] : memref<10000x16xf32, #tpu.memory_space<vmem_shared>> -> memref<625x16xf32, #tpu.memory_space<vmem_shared>>
      %dma_start3A_19 = arith.constant 0 : i32
      %dma_start3A_20 = tpu.memref_slice %arg2[%mul3A_2, %dma_start3A_19] : memref<10000x16xf32, #tpu.memory_space<hbm>> -> memref<625x16xf32, #tpu.memory_space<hbm>>
      tpu.enqueue_dma source(%dma_start3A_20 : memref<625x16xf32, #tpu.memory_space<hbm>>) target(%dma_start3A_18 : memref<625x16xf32, #tpu.memory_space<vmem_shared>>) target_semaphore(%run_scoped3A : memref<!tpu.dma_semaphore, #tpu.memory_space<semaphore_mem>>)
      %dma_wait3A = arith.constant 0 : i32
      %dma_wait3A_21 = tpu.memref_slice %arg10[%mul3A_4, %dma_wait3A] : memref<10000x16xf32, #tpu.memory_space<vmem_shared>> -> memref<625x16xf32, #tpu.memory_space<vmem_shared>>
      %dma_wait3A_22 = arith.constant 0 : i32
      %dma_wait3A_23 = tpu.memref_slice %arg2[%mul3A_2, %dma_wait3A_22] : memref<10000x16xf32, #tpu.memory_space<hbm>> -> memref<625x16xf32, #tpu.memory_space<hbm>>
      tpu.wait_dma2 semaphore(%run_scoped3A : memref<!tpu.dma_semaphore, #tpu.memory_space<semaphore_mem>>) src(%dma_wait3A_23 : memref<625x16xf32, #tpu.memory_space<hbm>>) dst(%dma_wait3A_21 : memref<625x16xf32, #tpu.memory_space<vmem_shared>>)
      tpu.yield
    }) : () -> ()
    %mul3A_5 = arith.constant 640 : i32
    %mul3A_6 = arith.muli %arg1, %mul3A_5 : i32
    %mul3A_7 = arith.constant 640 : i32
    %mul3A_8 = arith.muli %arg1, %mul3A_7 : i32
    "tpu.region"() ({
      %run_scoped3A = tpu.sem_alloc : memref<!tpu.dma_semaphore, #tpu.memory_space<semaphore_mem>>
      %dma_start3A = arith.constant 0 : i32
      %dma_start3A_18 = tpu.memref_slice %arg11[%mul3A_8, %dma_start3A] : memref<10240x16xf32, #tpu.memory_space<vmem_shared>> -> memref<640x16xf32, #tpu.memory_space<vmem_shared>>
      %dma_start3A_19 = arith.constant 0 : i32
      %dma_start3A_20 = tpu.memref_slice %arg5[%mul3A_6, %dma_start3A_19] : memref<10240x16xf32, #tpu.memory_space<hbm>> -> memref<640x16xf32, #tpu.memory_space<hbm>>
      tpu.enqueue_dma source(%dma_start3A_20 : memref<640x16xf32, #tpu.memory_space<hbm>>) target(%dma_start3A_18 : memref<640x16xf32, #tpu.memory_space<vmem_shared>>) target_semaphore(%run_scoped3A : memref<!tpu.dma_semaphore, #tpu.memory_space<semaphore_mem>>)
      %dma_wait3A = arith.constant 0 : i32
      %dma_wait3A_21 = tpu.memref_slice %arg11[%mul3A_8, %dma_wait3A] : memref<10240x16xf32, #tpu.memory_space<vmem_shared>> -> memref<640x16xf32, #tpu.memory_space<vmem_shared>>
      %dma_wait3A_22 = arith.constant 0 : i32
      %dma_wait3A_23 = tpu.memref_slice %arg5[%mul3A_6, %dma_wait3A_22] : memref<10240x16xf32, #tpu.memory_space<hbm>> -> memref<640x16xf32, #tpu.memory_space<hbm>>
      tpu.wait_dma2 semaphore(%run_scoped3A : memref<!tpu.dma_semaphore, #tpu.memory_space<semaphore_mem>>) src(%dma_wait3A_23 : memref<640x16xf32, #tpu.memory_space<hbm>>) dst(%dma_wait3A_21 : memref<640x16xf32, #tpu.memory_space<vmem_shared>>)
      tpu.yield
    }) : () -> ()
    %barrier3A = arith.constant 0 : index
    tpu.barrier barrier_id(%barrier3A)
    %scan3A = arith.constant 0 : i32
    %scan3A_9 = arith.constant 2 : i32
    %scan3A_10 = arith.addi %scan3A, %scan3A_9 : i32
    %scan3A_11 = arith.constant 1 : i32
    scf.for %scan3A_18 = %scan3A to %scan3A_10 step %scan3A_11  : i32 {
      %mul3A_19 = arith.constant 1 : i32
      %mul3A_20 = arith.muli %scan3A_18, %mul3A_19 : i32
      %add3A_21 = arith.constant 0 : i32
      %add3A_22 = arith.addi %add3A_21, %mul3A_20 : i32
      "tpu.region"() ({
        %run_scoped3A = tpu.sem_alloc : memref<!tpu.dma_semaphore, #tpu.memory_space<semaphore_mem>>
        %dma_start3A = arith.constant 0 : i32
        %dma_start3A_23 = tpu.memref_slice %arg7[%add3A_22, %dma_start3A] : memref<2x5120xi32, #tpu.memory_space<vmem>> -> memref<1x5120xi32, #tpu.memory_space<vmem>>
        %dma_start3A_24 = tpu.memref_squeeze %dma_start3A_23 : memref<1x5120xi32, #tpu.memory_space<vmem>> -> memref<5120xi32, #tpu.memory_space<vmem>>
        %dma_start3A_25 = arith.constant 0 : i32
        %dma_start3A_26 = arith.constant 0 : i32
        %dma_start3A_27 = tpu.memref_slice %arg10[%dma_start3A_25, %dma_start3A_26] : memref<10000x16xf32, #tpu.memory_space<vmem_shared>> -> memref<10000x16xf32, #tpu.memory_space<vmem_shared>>
        tpu.enqueue_indirect_dma source(%dma_start3A_27 : memref<10000x16xf32, #tpu.memory_space<vmem_shared>>) target(%arg9 : memref<5120x16xf32, #tpu.memory_space<vmem>>) offsets(%dma_start3A_24 : memref<5120xi32, #tpu.memory_space<vmem>>) semaphore(%run_scoped3A : memref<!tpu.dma_semaphore, #tpu.memory_space<semaphore_mem>>)
        %dma_wait3A = arith.constant 0 : i32
        %dma_wait3A_28 = tpu.memref_slice %arg7[%add3A_22, %dma_wait3A] : memref<2x5120xi32, #tpu.memory_space<vmem>> -> memref<1x5120xi32, #tpu.memory_space<vmem>>
        %dma_wait3A_29 = tpu.memref_squeeze %dma_wait3A_28 : memref<1x5120xi32, #tpu.memory_space<vmem>> -> memref<5120xi32, #tpu.memory_space<vmem>>
        %dma_wait3A_30 = arith.constant 0 : i32
        %dma_wait3A_31 = arith.constant 0 : i32
        %dma_wait3A_32 = tpu.memref_slice %arg10[%dma_wait3A_30, %dma_wait3A_31] : memref<10000x16xf32, #tpu.memory_space<vmem_shared>> -> memref<10000x16xf32, #tpu.memory_space<vmem_shared>>
        tpu.wait_indirect_dma semaphore(%run_scoped3A : memref<!tpu.dma_semaphore, #tpu.memory_space<semaphore_mem>>) src(%dma_wait3A_32 : memref<10000x16xf32, #tpu.memory_space<vmem_shared>>) dst(%arg9 : memref<5120x16xf32, #tpu.memory_space<vmem>>)
        tpu.yield
      }) : () -> ()
      "tpu.region"() ({
        %run_scoped3A = tpu.sem_alloc : memref<!tpu.dma_semaphore, #tpu.memory_space<semaphore_mem>>
        %dma_start3A = arith.constant 0 : i32
        %dma_start3A_23 = tpu.memref_slice %arg8[%add3A_22, %dma_start3A] : memref<2x5120xi32, #tpu.memory_space<vmem>> -> memref<1x5120xi32, #tpu.memory_space<vmem>>
        %dma_start3A_24 = tpu.memref_squeeze %dma_start3A_23 : memref<1x5120xi32, #tpu.memory_space<vmem>> -> memref<5120xi32, #tpu.memory_space<vmem>>
        %dma_start3A_25 = arith.constant 0 : i32
        %dma_start3A_26 = arith.constant 0 : i32
        %dma_start3A_27 = tpu.memref_slice %arg11[%dma_start3A_25, %dma_start3A_26] : memref<10240x16xf32, #tpu.memory_space<vmem_shared>> -> memref<10240x16xf32, #tpu.memory_space<vmem_shared>>
        tpu.enqueue_indirect_dma source(%arg9 : memref<5120x16xf32, #tpu.memory_space<vmem>>) target(%dma_start3A_27 : memref<10240x16xf32, #tpu.memory_space<vmem_shared>>) offsets(%dma_start3A_24 : memref<5120xi32, #tpu.memory_space<vmem>>) semaphore(%run_scoped3A : memref<!tpu.dma_semaphore, #tpu.memory_space<semaphore_mem>>) {add = true}
        %dma_wait3A = arith.constant 0 : i32
        %dma_wait3A_28 = tpu.memref_slice %arg8[%add3A_22, %dma_wait3A] : memref<2x5120xi32, #tpu.memory_space<vmem>> -> memref<1x5120xi32, #tpu.memory_space<vmem>>
        %dma_wait3A_29 = tpu.memref_squeeze %dma_wait3A_28 : memref<1x5120xi32, #tpu.memory_space<vmem>> -> memref<5120xi32, #tpu.memory_space<vmem>>
        %dma_wait3A_30 = arith.constant 0 : i32
        %dma_wait3A_31 = arith.constant 0 : i32
        %dma_wait3A_32 = tpu.memref_slice %arg11[%dma_wait3A_30, %dma_wait3A_31] : memref<10240x16xf32, #tpu.memory_space<vmem_shared>> -> memref<10240x16xf32, #tpu.memory_space<vmem_shared>>
        tpu.wait_indirect_dma semaphore(%run_scoped3A : memref<!tpu.dma_semaphore, #tpu.memory_space<semaphore_mem>>) src(%arg9 : memref<5120x16xf32, #tpu.memory_space<vmem>>) dst(%dma_wait3A_32 : memref<10240x16xf32, #tpu.memory_space<vmem_shared>>)
        tpu.yield
      }) : () -> ()
    }
    %scan3A_12 = arith.constant 2 : i32
    %barrier3A_13 = arith.constant 0 : index
    tpu.barrier barrier_id(%barrier3A_13)
    %mul3A_14 = arith.constant 640 : i32
    %mul3A_15 = arith.muli %arg1, %mul3A_14 : i32
    %mul3A_16 = arith.constant 640 : i32
    %mul3A_17 = arith.muli %arg1, %mul3A_16 : i32
    "tpu.region"() ({
      %run_scoped3A = tpu.sem_alloc : memref<!tpu.dma_semaphore, #tpu.memory_space<semaphore_mem>>
      %dma_start3A = arith.constant 0 : i32
      %dma_start3A_18 = arith.constant 0 : i32
      %dma_start3A_19 = tpu.memref_slice %arg6[%arg0, %dma_start3A, %dma_start3A_18] : memref<2x10240x16xf32, #tpu.memory_space<hbm>> -> memref<1x10240x16xf32, #tpu.memory_space<hbm>>
      %dma_start3A_20 = tpu.memref_squeeze %dma_start3A_19 : memref<1x10240x16xf32, #tpu.memory_space<hbm>> -> memref<10240x16xf32, #tpu.memory_space<hbm>>
      %dma_start3A_21 = arith.constant 0 : i32
      %dma_start3A_22 = tpu.memref_slice %dma_start3A_20[%mul3A_17, %dma_start3A_21] : memref<10240x16xf32, #tpu.memory_space<hbm>> -> memref<640x16xf32, #tpu.memory_space<hbm>>
      %dma_start3A_23 = arith.constant 0 : i32
      %dma_start3A_24 = tpu.memref_slice %arg11[%mul3A_15, %dma_start3A_23] : memref<10240x16xf32, #tpu.memory_space<vmem_shared>> -> memref<640x16xf32, #tpu.memory_space<vmem_shared>>
      tpu.enqueue_dma source(%dma_start3A_24 : memref<640x16xf32, #tpu.memory_space<vmem_shared>>) target(%dma_start3A_22 : memref<640x16xf32, #tpu.memory_space<hbm>>) target_semaphore(%run_scoped3A : memref<!tpu.dma_semaphore, #tpu.memory_space<semaphore_mem>>)
      %dma_wait3A = arith.constant 0 : i32
      %dma_wait3A_25 = arith.constant 0 : i32
      %dma_wait3A_26 = tpu.memref_slice %arg6[%arg0, %dma_wait3A, %dma_wait3A_25] : memref<2x10240x16xf32, #tpu.memory_space<hbm>> -> memref<1x10240x16xf32, #tpu.memory_space<hbm>>
      %dma_wait3A_27 = tpu.memref_squeeze %dma_wait3A_26 : memref<1x10240x16xf32, #tpu.memory_space<hbm>> -> memref<10240x16xf32, #tpu.memory_space<hbm>>
      %dma_wait3A_28 = arith.constant 0 : i32
      %dma_wait3A_29 = tpu.memref_slice %dma_wait3A_27[%mul3A_17, %dma_wait3A_28] : memref<10240x16xf32, #tpu.memory_space<hbm>> -> memref<640x16xf32, #tpu.memory_space<hbm>>
      %dma_wait3A_30 = arith.constant 0 : i32
      %dma_wait3A_31 = tpu.memref_slice %arg11[%mul3A_15, %dma_wait3A_30] : memref<10240x16xf32, #tpu.memory_space<vmem_shared>> -> memref<640x16xf32, #tpu.memory_space<vmem_shared>>
      tpu.wait_dma2 semaphore(%run_scoped3A : memref<!tpu.dma_semaphore, #tpu.memory_space<semaphore_mem>>) src(%dma_wait3A_31 : memref<640x16xf32, #tpu.memory_space<vmem_shared>>) dst(%dma_wait3A_29 : memref<640x16xf32, #tpu.memory_space<hbm>>)
      tpu.yield
    }) : () -> ()
    return
  }
}

#map = affine_map<(d0, d1) -> (0, 0)>
#map1 = affine_map<(d0, d1) -> (0, 0, 0)>
module attributes {stable_mosaic.version = 14 : i64} {
  func.func @k(%arg0: i32, %arg1: i32, %arg2: memref<10000x16xf32, #tpu.memory_space<hbm>>, %arg3: memref<32x2x5120xi32, #tpu.memory_space<hbm>>, %arg4: memref<32x2x5120xi32, #tpu.memory_space<hbm>>, %arg5: memref<10240x16xf32, #tpu.memory_space<hbm>>, %arg6: memref<2x10240x16xf32, #tpu.memory_space<hbm>>, %arg7: memref<2x5120xi32, #tpu.memory_space<vmem>>, %arg8: memref<2x5120xi32, #tpu.memory_space<vmem>>, %arg9: memref<5120x16xf32, #tpu.memory_space<vmem>>, %arg10: memref<10000x16xf32, #tpu.memory_space<vmem_shared>>, %arg11: memref<10240x16xf32, #tpu.memory_space<vmem_shared>>) attributes {dimension_semantics = [#tpu.dimension_semantics<core_parallel>, #tpu.dimension_semantics<subcore_parallel>], iteration_bounds = array<i64: 2, 16>, scalar_prefetch = 0 : i64, scratch_operands = 5 : i64, tpu.core_type = #tpu.core_type<sc_vector_subcore>, window_params = [{transform_indices = #map}, {transform_indices = #map1}, {transform_indices = #map1}, {transform_indices = #map}, {transform_indices = #map1}]} {
    %mul3A = arith.constant 2 : i32
    %mul3A_0 = arith.muli %arg1, %mul3A : i32
    %add3A = arith.addi %mul3A_0, %arg0 : i32
    "tpu.region"() ({
      %run_scoped3A = tpu.sem_alloc : memref<!tpu.dma_semaphore, #tpu.memory_space<semaphore_mem>>
      %dma_start3A = arith.constant 0 : i32
      %dma_start3A_18 = arith.constant 0 : i32
      %dma_start3A_19 = tpu.memref_slice %arg3[%add3A, %dma_start3A, %dma_start3A_18] : memref<32x2x5120xi32, #tpu.memory_space<hbm>> -> memref<1x2x5120xi32, #tpu.memory_space<hbm>>
      %dma_start3A_20 = tpu.memref_squeeze %dma_start3A_19 : memref<1x2x5120xi32, #tpu.memory_space<hbm>> -> memref<2x5120xi32, #tpu.memory_space<hbm>>
      %dma_start3A_21 = arith.constant 0 : i32
      %dma_start3A_22 = arith.constant 0 : i32
      %dma_start3A_23 = tpu.memref_slice %arg3[%add3A, %dma_start3A_21, %dma_start3A_22] : memref<32x2x5120xi32, #tpu.memory_space<hbm>> -> memref<1x2x5120xi32, #tpu.memory_space<hbm>>
      %dma_start3A_24 = tpu.memref_squeeze %dma_start3A_23 : memref<1x2x5120xi32, #tpu.memory_space<hbm>> -> memref<2x5120xi32, #tpu.memory_space<hbm>>
      tpu.enqueue_dma source(%dma_start3A_24 : memref<2x5120xi32, #tpu.memory_space<hbm>>) target(%arg7 : memref<2x5120xi32, #tpu.memory_space<vmem>>) target_semaphore(%run_scoped3A : memref<!tpu.dma_semaphore, #tpu.memory_space<semaphore_mem>>)
      %dma_wait3A = arith.constant 0 : i32
      %dma_wait3A_25 = arith.constant 0 : i32
      %dma_wait3A_26 = tpu.memref_slice %arg3[%add3A, %dma_wait3A, %dma_wait3A_25] : memref<32x2x5120xi32, #tpu.memory_space<hbm>> -> memref<1x2x5120xi32, #tpu.memory_space<hbm>>
      %dma_wait3A_27 = tpu.memref_squeeze %dma_wait3A_26 : memref<1x2x5120xi32, #tpu.memory_space<hbm>> -> memref<2x5120xi32, #tpu.memory_space<hbm>>
      %dma_wait3A_28 = arith.constant 0 : i32
      %dma_wait3A_29 = arith.constant 0 : i32
      %dma_wait3A_30 = tpu.memref_slice %arg3[%add3A, %dma_wait3A_28, %dma_wait3A_29] : memref<32x2x5120xi32, #tpu.memory_space<hbm>> -> memref<1x2x5120xi32, #tpu.memory_space<hbm>>
      %dma_wait3A_31 = tpu.memref_squeeze %dma_wait3A_30 : memref<1x2x5120xi32, #tpu.memory_space<hbm>> -> memref<2x5120xi32, #tpu.memory_space<hbm>>
      tpu.wait_dma2 semaphore(%run_scoped3A : memref<!tpu.dma_semaphore, #tpu.memory_space<semaphore_mem>>) src(%dma_wait3A_31 : memref<2x5120xi32, #tpu.memory_space<hbm>>) dst(%arg7 : memref<2x5120xi32, #tpu.memory_space<vmem>>)
      tpu.yield
    }) : () -> ()
    "tpu.region"() ({
      %run_scoped3A = tpu.sem_alloc : memref<!tpu.dma_semaphore, #tpu.memory_space<semaphore_mem>>
      %dma_start3A = arith.constant 0 : i32
      %dma_start3A_18 = arith.constant 0 : i32
      %dma_start3A_19 = tpu.memref_slice %arg4[%add3A, %dma_start3A, %dma_start3A_18] : memref<32x2x5120xi32, #tpu.memory_space<hbm>> -> memref<1x2x5120xi32, #tpu.memory_space<hbm>>
      %dma_start3A_20 = tpu.memref_squeeze %dma_start3A_19 : memref<1x2x5120xi32, #tpu.memory_space<hbm>> -> memref<2x5120xi32, #tpu.memory_space<hbm>>
      %dma_start3A_21 = arith.constant 0 : i32
      %dma_start3A_22 = arith.constant 0 : i32
      %dma_start3A_23 = tpu.memref_slice %arg4[%add3A, %dma_start3A_21, %dma_start3A_22] : memref<32x2x5120xi32, #tpu.memory_space<hbm>> -> memref<1x2x5120xi32, #tpu.memory_space<hbm>>
      %dma_start3A_24 = tpu.memref_squeeze %dma_start3A_23 : memref<1x2x5120xi32, #tpu.memory_space<hbm>> -> memref<2x5120xi32, #tpu.memory_space<hbm>>
      tpu.enqueue_dma source(%dma_start3A_24 : memref<2x5120xi32, #tpu.memory_space<hbm>>) target(%arg8 : memref<2x5120xi32, #tpu.memory_space<vmem>>) target_semaphore(%run_scoped3A : memref<!tpu.dma_semaphore, #tpu.memory_space<semaphore_mem>>)
      %dma_wait3A = arith.constant 0 : i32
      %dma_wait3A_25 = arith.constant 0 : i32
      %dma_wait3A_26 = tpu.memref_slice %arg4[%add3A, %dma_wait3A, %dma_wait3A_25] : memref<32x2x5120xi32, #tpu.memory_space<hbm>> -> memref<1x2x5120xi32, #tpu.memory_space<hbm>>
      %dma_wait3A_27 = tpu.memref_squeeze %dma_wait3A_26 : memref<1x2x5120xi32, #tpu.memory_space<hbm>> -> memref<2x5120xi32, #tpu.memory_space<hbm>>
      %dma_wait3A_28 = arith.constant 0 : i32
      %dma_wait3A_29 = arith.constant 0 : i32
      %dma_wait3A_30 = tpu.memref_slice %arg4[%add3A, %dma_wait3A_28, %dma_wait3A_29] : memref<32x2x5120xi32, #tpu.memory_space<hbm>> -> memref<1x2x5120xi32, #tpu.memory_space<hbm>>
      %dma_wait3A_31 = tpu.memref_squeeze %dma_wait3A_30 : memref<1x2x5120xi32, #tpu.memory_space<hbm>> -> memref<2x5120xi32, #tpu.memory_space<hbm>>
      tpu.wait_dma2 semaphore(%run_scoped3A : memref<!tpu.dma_semaphore, #tpu.memory_space<semaphore_mem>>) src(%dma_wait3A_31 : memref<2x5120xi32, #tpu.memory_space<hbm>>) dst(%arg8 : memref<2x5120xi32, #tpu.memory_space<vmem>>)
      tpu.yield
    }) : () -> ()
    %mul3A_1 = arith.constant 625 : i32
    %mul3A_2 = arith.muli %arg1, %mul3A_1 : i32
    %mul3A_3 = arith.constant 625 : i32
    %mul3A_4 = arith.muli %arg1, %mul3A_3 : i32
    "tpu.region"() ({
      %run_scoped3A = tpu.sem_alloc : memref<!tpu.dma_semaphore, #tpu.memory_space<semaphore_mem>>
      %dma_start3A = arith.constant 0 : i32
      %dma_start3A_18 = tpu.memref_slice %arg10[%mul3A_4, %dma_start3A] : memref<10000x16xf32, #tpu.memory_space<vmem_shared>> -> memref<625x16xf32, #tpu.memory_space<vmem_shared>>
      %dma_start3A_19 = arith.constant 0 : i32
      %dma_start3A_20 = tpu.memref_slice %arg2[%mul3A_2, %dma_start3A_19] : memref<10000x16xf32, #tpu.memory_space<hbm>> -> memref<625x16xf32, #tpu.memory_space<hbm>>
      tpu.enqueue_dma source(%dma_start3A_20 : memref<625x16xf32, #tpu.memory_space<hbm>>) target(%dma_start3A_18 : memref<625x16xf32, #tpu.memory_space<vmem_shared>>) target_semaphore(%run_scoped3A : memref<!tpu.dma_semaphore, #tpu.memory_space<semaphore_mem>>)
      %dma_wait3A = arith.constant 0 : i32
      %dma_wait3A_21 = tpu.memref_slice %arg10[%mul3A_4, %dma_wait3A] : memref<10000x16xf32, #tpu.memory_space<vmem_shared>> -> memref<625x16xf32, #tpu.memory_space<vmem_shared>>
      %dma_wait3A_22 = arith.constant 0 : i32
      %dma_wait3A_23 = tpu.memref_slice %arg2[%mul3A_2, %dma_wait3A_22] : memref<10000x16xf32, #tpu.memory_space<hbm>> -> memref<625x16xf32, #tpu.memory_space<hbm>>
      tpu.wait_dma2 semaphore(%run_scoped3A : memref<!tpu.dma_semaphore, #tpu.memory_space<semaphore_mem>>) src(%dma_wait3A_23 : memref<625x16xf32, #tpu.memory_space<hbm>>) dst(%dma_wait3A_21 : memref<625x16xf32, #tpu.memory_space<vmem_shared>>)
      tpu.yield
    }) : () -> ()
    %mul3A_5 = arith.constant 640 : i32
    %mul3A_6 = arith.muli %arg1, %mul3A_5 : i32
    %mul3A_7 = arith.constant 640 : i32
    %mul3A_8 = arith.muli %arg1, %mul3A_7 : i32
    "tpu.region"() ({
      %run_scoped3A = tpu.sem_alloc : memref<!tpu.dma_semaphore, #tpu.memory_space<semaphore_mem>>
      %dma_start3A = arith.constant 0 : i32
      %dma_start3A_18 = tpu.memref_slice %arg11[%mul3A_8, %dma_start3A] : memref<10240x16xf32, #tpu.memory_space<vmem_shared>> -> memref<640x16xf32, #tpu.memory_space<vmem_shared>>
      %dma_start3A_19 = arith.constant 0 : i32
      %dma_start3A_20 = tpu.memref_slice %arg5[%mul3A_6, %dma_start3A_19] : memref<10240x16xf32, #tpu.memory_space<hbm>> -> memref<640x16xf32, #tpu.memory_space<hbm>>
      tpu.enqueue_dma source(%dma_start3A_20 : memref<640x16xf32, #tpu.memory_space<hbm>>) target(%dma_start3A_18 : memref<640x16xf32, #tpu.memory_space<vmem_shared>>) target_semaphore(%run_scoped3A : memref<!tpu.dma_semaphore, #tpu.memory_space<semaphore_mem>>)
      %dma_wait3A = arith.constant 0 : i32
      %dma_wait3A_21 = tpu.memref_slice %arg11[%mul3A_8, %dma_wait3A] : memref<10240x16xf32, #tpu.memory_space<vmem_shared>> -> memref<640x16xf32, #tpu.memory_space<vmem_shared>>
      %dma_wait3A_22 = arith.constant 0 : i32
      %dma_wait3A_23 = tpu.memref_slice %arg5[%mul3A_6, %dma_wait3A_22] : memref<10240x16xf32, #tpu.memory_space<hbm>> -> memref<640x16xf32, #tpu.memory_space<hbm>>
      tpu.wait_dma2 semaphore(%run_scoped3A : memref<!tpu.dma_semaphore, #tpu.memory_space<semaphore_mem>>) src(%dma_wait3A_23 : memref<640x16xf32, #tpu.memory_space<hbm>>) dst(%dma_wait3A_21 : memref<640x16xf32, #tpu.memory_space<vmem_shared>>)
      tpu.yield
    }) : () -> ()
    %barrier3A = arith.constant 0 : index
    tpu.barrier barrier_id(%barrier3A)
    %scan3A = arith.constant 0 : i32
    %scan3A_9 = arith.constant 2 : i32
    %scan3A_10 = arith.addi %scan3A, %scan3A_9 : i32
    %scan3A_11 = arith.constant 1 : i32
    scf.for %scan3A_18 = %scan3A to %scan3A_10 step %scan3A_11  : i32 {
      %mul3A_19 = arith.constant 1 : i32
      %mul3A_20 = arith.muli %scan3A_18, %mul3A_19 : i32
      %add3A_21 = arith.constant 0 : i32
      %add3A_22 = arith.addi %add3A_21, %mul3A_20 : i32
      "tpu.region"() ({
        %run_scoped3A = tpu.sem_alloc : memref<!tpu.dma_semaphore, #tpu.memory_space<semaphore_mem>>
        %dma_start3A = arith.constant 0 : i32
        %dma_start3A_23 = tpu.memref_slice %arg7[%add3A_22, %dma_start3A] : memref<2x5120xi32, #tpu.memory_space<vmem>> -> memref<1x5120xi32, #tpu.memory_space<vmem>>
        %dma_start3A_24 = tpu.memref_squeeze %dma_start3A_23 : memref<1x5120xi32, #tpu.memory_space<vmem>> -> memref<5120xi32, #tpu.memory_space<vmem>>
        %dma_start3A_25 = arith.constant 0 : i32
        %dma_start3A_26 = arith.constant 0 : i32
        %dma_start3A_27 = tpu.memref_slice %arg10[%dma_start3A_25, %dma_start3A_26] : memref<10000x16xf32, #tpu.memory_space<vmem_shared>> -> memref<10000x16xf32, #tpu.memory_space<vmem_shared>>
        tpu.enqueue_indirect_dma source(%dma_start3A_27 : memref<10000x16xf32, #tpu.memory_space<vmem_shared>>) target(%arg9 : memref<5120x16xf32, #tpu.memory_space<vmem>>) offsets(%dma_start3A_24 : memref<5120xi32, #tpu.memory_space<vmem>>) semaphore(%run_scoped3A : memref<!tpu.dma_semaphore, #tpu.memory_space<semaphore_mem>>)
        %dma_wait3A = arith.constant 0 : i32
        %dma_wait3A_28 = tpu.memref_slice %arg7[%add3A_22, %dma_wait3A] : memref<2x5120xi32, #tpu.memory_space<vmem>> -> memref<1x5120xi32, #tpu.memory_space<vmem>>
        %dma_wait3A_29 = tpu.memref_squeeze %dma_wait3A_28 : memref<1x5120xi32, #tpu.memory_space<vmem>> -> memref<5120xi32, #tpu.memory_space<vmem>>
        %dma_wait3A_30 = arith.constant 0 : i32
        %dma_wait3A_31 = arith.constant 0 : i32
        %dma_wait3A_32 = tpu.memref_slice %arg10[%dma_wait3A_30, %dma_wait3A_31] : memref<10000x16xf32, #tpu.memory_space<vmem_shared>> -> memref<10000x16xf32, #tpu.memory_space<vmem_shared>>
        tpu.wait_indirect_dma semaphore(%run_scoped3A : memref<!tpu.dma_semaphore, #tpu.memory_space<semaphore_mem>>) src(%dma_wait3A_32 : memref<10000x16xf32, #tpu.memory_space<vmem_shared>>) dst(%arg9 : memref<5120x16xf32, #tpu.memory_space<vmem>>)
        tpu.yield
      }) : () -> ()
      "tpu.region"() ({
        %run_scoped3A = tpu.sem_alloc : memref<!tpu.dma_semaphore, #tpu.memory_space<semaphore_mem>>
        %dma_start3A = arith.constant 0 : i32
        %dma_start3A_23 = tpu.memref_slice %arg8[%add3A_22, %dma_start3A] : memref<2x5120xi32, #tpu.memory_space<vmem>> -> memref<1x5120xi32, #tpu.memory_space<vmem>>
        %dma_start3A_24 = tpu.memref_squeeze %dma_start3A_23 : memref<1x5120xi32, #tpu.memory_space<vmem>> -> memref<5120xi32, #tpu.memory_space<vmem>>
        %dma_start3A_25 = arith.constant 0 : i32
        %dma_start3A_26 = arith.constant 0 : i32
        %dma_start3A_27 = tpu.memref_slice %arg11[%dma_start3A_25, %dma_start3A_26] : memref<10240x16xf32, #tpu.memory_space<vmem_shared>> -> memref<10240x16xf32, #tpu.memory_space<vmem_shared>>
        tpu.enqueue_indirect_dma source(%arg9 : memref<5120x16xf32, #tpu.memory_space<vmem>>) target(%dma_start3A_27 : memref<10240x16xf32, #tpu.memory_space<vmem_shared>>) offsets(%dma_start3A_24 : memref<5120xi32, #tpu.memory_space<vmem>>) semaphore(%run_scoped3A : memref<!tpu.dma_semaphore, #tpu.memory_space<semaphore_mem>>) {add = true}
        %dma_wait3A = arith.constant 0 : i32
        %dma_wait3A_28 = tpu.memref_slice %arg8[%add3A_22, %dma_wait3A] : memref<2x5120xi32, #tpu.memory_space<vmem>> -> memref<1x5120xi32, #tpu.memory_space<vmem>>
        %dma_wait3A_29 = tpu.memref_squeeze %dma_wait3A_28 : memref<1x5120xi32, #tpu.memory_space<vmem>> -> memref<5120xi32, #tpu.memory_space<vmem>>
        %dma_wait3A_30 = arith.constant 0 : i32
        %dma_wait3A_31 = arith.constant 0 : i32
        %dma_wait3A_32 = tpu.memref_slice %arg11[%dma_wait3A_30, %dma_wait3A_31] : memref<10240x16xf32, #tpu.memory_space<vmem_shared>> -> memref<10240x16xf32, #tpu.memory_space<vmem_shared>>
        tpu.wait_indirect_dma semaphore(%run_scoped3A : memref<!tpu.dma_semaphore, #tpu.memory_space<semaphore_mem>>) src(%arg9 : memref<5120x16xf32, #tpu.memory_space<vmem>>) dst(%dma_wait3A_32 : memref<10240x16xf32, #tpu.memory_space<vmem_shared>>)
        tpu.yield
      }) : () -> ()
    }
    %scan3A_12 = arith.constant 2 : i32
    %barrier3A_13 = arith.constant 0 : index
    tpu.barrier barrier_id(%barrier3A_13)
    %mul3A_14 = arith.constant 640 : i32
    %mul3A_15 = arith.muli %arg1, %mul3A_14 : i32
    %mul3A_16 = arith.constant 640 : i32
    %mul3A_17 = arith.muli %arg1, %mul3A_16 : i32
    "tpu.region"() ({
      %run_scoped3A = tpu.sem_alloc : memref<!tpu.dma_semaphore, #tpu.memory_space<semaphore_mem>>
      %dma_start3A = arith.constant 0 : i32
      %dma_start3A_18 = arith.constant 0 : i32
      %dma_start3A_19 = tpu.memref_slice %arg6[%arg0, %dma_start3A, %dma_start3A_18] : memref<2x10240x16xf32, #tpu.memory_space<hbm>> -> memref<1x10240x16xf32, #tpu.memory_space<hbm>>
      %dma_start3A_20 = tpu.memref_squeeze %dma_start3A_19 : memref<1x10240x16xf32, #tpu.memory_space<hbm>> -> memref<10240x16xf32, #tpu.memory_space<hbm>>
      %dma_start3A_21 = arith.constant 0 : i32
      %dma_start3A_22 = tpu.memref_slice %dma_start3A_20[%mul3A_17, %dma_start3A_21] : memref<10240x16xf32, #tpu.memory_space<hbm>> -> memref<640x16xf32, #tpu.memory_space<hbm>>
      %dma_start3A_23 = arith.constant 0 : i32
      %dma_start3A_24 = tpu.memref_slice %arg11[%mul3A_15, %dma_start3A_23] : memref<10240x16xf32, #tpu.memory_space<vmem_shared>> -> memref<640x16xf32, #tpu.memory_space<vmem_shared>>
      tpu.enqueue_dma source(%dma_start3A_24 : memref<640x16xf32, #tpu.memory_space<vmem_shared>>) target(%dma_start3A_22 : memref<640x16xf32, #tpu.memory_space<hbm>>) target_semaphore(%run_scoped3A : memref<!tpu.dma_semaphore, #tpu.memory_space<semaphore_mem>>)
      %dma_wait3A = arith.constant 0 : i32
      %dma_wait3A_25 = arith.constant 0 : i32
      %dma_wait3A_26 = tpu.memref_slice %arg6[%arg0, %dma_wait3A, %dma_wait3A_25] : memref<2x10240x16xf32, #tpu.memory_space<hbm>> -> memref<1x10240x16xf32, #tpu.memory_space<hbm>>
      %dma_wait3A_27 = tpu.memref_squeeze %dma_wait3A_26 : memref<1x10240x16xf32, #tpu.memory_space<hbm>> -> memref<10240x16xf32, #tpu.memory_space<hbm>>
      %dma_wait3A_28 = arith.constant 0 : i32
      %dma_wait3A_29 = tpu.memref_slice %dma_wait3A_27[%mul3A_17, %dma_wait3A_28] : memref<10240x16xf32, #tpu.memory_space<hbm>> -> memref<640x16xf32, #tpu.memory_space<hbm>>
      %dma_wait3A_30 = arith.constant 0 : i32
      %dma_wait3A_31 = tpu.memref_slice %arg11[%mul3A_15, %dma_wait3A_30] : memref<10240x16xf32, #tpu.memory_space<vmem_shared>> -> memref<640x16xf32, #tpu.memory_space<vmem_shared>>
      tpu.wait_dma2 semaphore(%run_scoped3A : memref<!tpu.dma_semaphore, #tpu.memory_space<semaphore_mem>>) src(%dma_wait3A_31 : memref<640x16xf32, #tpu.memory_space<vmem_shared>>) dst(%dma_wait3A_29 : memref<640x16xf32, #tpu.memory_space<hbm>>)
      tpu.yield
    }) : () -> ()
    return
  }
}

#map = affine_map<(d0, d1) -> (0, 0)>
#map1 = affine_map<(d0, d1) -> (0, 0, 0)>
module attributes {stable_mosaic.version = 14 : i64} {
  func.func @k(%arg0: i32, %arg1: i32, %arg2: memref<10000x16xf32, #tpu.memory_space<hbm>>, %arg3: memref<32x2x5120xi32, #tpu.memory_space<hbm>>, %arg4: memref<32x2x5120xi32, #tpu.memory_space<hbm>>, %arg5: memref<10240x16xf32, #tpu.memory_space<hbm>>, %arg6: memref<2x10240x16xf32, #tpu.memory_space<hbm>>, %arg7: memref<2x5120xi32, #tpu.memory_space<vmem>>, %arg8: memref<2x5120xi32, #tpu.memory_space<vmem>>, %arg9: memref<5120x16xf32, #tpu.memory_space<vmem>>, %arg10: memref<10000x16xf32, #tpu.memory_space<vmem_shared>>, %arg11: memref<10240x16xf32, #tpu.memory_space<vmem_shared>>) attributes {dimension_semantics = [#tpu.dimension_semantics<core_parallel>, #tpu.dimension_semantics<subcore_parallel>], iteration_bounds = array<i64: 2, 16>, scalar_prefetch = 0 : i64, scratch_operands = 5 : i64, tpu.core_type = #tpu.core_type<sc_vector_subcore>, window_params = [{transform_indices = #map}, {transform_indices = #map1}, {transform_indices = #map1}, {transform_indices = #map}, {transform_indices = #map1}]} {
    %mul3A = arith.constant 2 : i32
    %mul3A_0 = arith.muli %arg1, %mul3A : i32
    %add3A = arith.addi %mul3A_0, %arg0 : i32
    "tpu.region"() ({
      %run_scoped3A = tpu.sem_alloc : memref<!tpu.dma_semaphore, #tpu.memory_space<semaphore_mem>>
      %dma_start3A = arith.constant 0 : i32
      %dma_start3A_18 = arith.constant 0 : i32
      %dma_start3A_19 = tpu.memref_slice %arg3[%add3A, %dma_start3A, %dma_start3A_18] : memref<32x2x5120xi32, #tpu.memory_space<hbm>> -> memref<1x2x5120xi32, #tpu.memory_space<hbm>>
      %dma_start3A_20 = tpu.memref_squeeze %dma_start3A_19 : memref<1x2x5120xi32, #tpu.memory_space<hbm>> -> memref<2x5120xi32, #tpu.memory_space<hbm>>
      %dma_start3A_21 = arith.constant 0 : i32
      %dma_start3A_22 = arith.constant 0 : i32
      %dma_start3A_23 = tpu.memref_slice %arg3[%add3A, %dma_start3A_21, %dma_start3A_22] : memref<32x2x5120xi32, #tpu.memory_space<hbm>> -> memref<1x2x5120xi32, #tpu.memory_space<hbm>>
      %dma_start3A_24 = tpu.memref_squeeze %dma_start3A_23 : memref<1x2x5120xi32, #tpu.memory_space<hbm>> -> memref<2x5120xi32, #tpu.memory_space<hbm>>
      tpu.enqueue_dma source(%dma_start3A_24 : memref<2x5120xi32, #tpu.memory_space<hbm>>) target(%arg7 : memref<2x5120xi32, #tpu.memory_space<vmem>>) target_semaphore(%run_scoped3A : memref<!tpu.dma_semaphore, #tpu.memory_space<semaphore_mem>>)
      %dma_wait3A = arith.constant 0 : i32
      %dma_wait3A_25 = arith.constant 0 : i32
      %dma_wait3A_26 = tpu.memref_slice %arg3[%add3A, %dma_wait3A, %dma_wait3A_25] : memref<32x2x5120xi32, #tpu.memory_space<hbm>> -> memref<1x2x5120xi32, #tpu.memory_space<hbm>>
      %dma_wait3A_27 = tpu.memref_squeeze %dma_wait3A_26 : memref<1x2x5120xi32, #tpu.memory_space<hbm>> -> memref<2x5120xi32, #tpu.memory_space<hbm>>
      %dma_wait3A_28 = arith.constant 0 : i32
      %dma_wait3A_29 = arith.constant 0 : i32
      %dma_wait3A_30 = tpu.memref_slice %arg3[%add3A, %dma_wait3A_28, %dma_wait3A_29] : memref<32x2x5120xi32, #tpu.memory_space<hbm>> -> memref<1x2x5120xi32, #tpu.memory_space<hbm>>
      %dma_wait3A_31 = tpu.memref_squeeze %dma_wait3A_30 : memref<1x2x5120xi32, #tpu.memory_space<hbm>> -> memref<2x5120xi32, #tpu.memory_space<hbm>>
      tpu.wait_dma2 semaphore(%run_scoped3A : memref<!tpu.dma_semaphore, #tpu.memory_space<semaphore_mem>>) src(%dma_wait3A_31 : memref<2x5120xi32, #tpu.memory_space<hbm>>) dst(%arg7 : memref<2x5120xi32, #tpu.memory_space<vmem>>)
      tpu.yield
    }) : () -> ()
    "tpu.region"() ({
      %run_scoped3A = tpu.sem_alloc : memref<!tpu.dma_semaphore, #tpu.memory_space<semaphore_mem>>
      %dma_start3A = arith.constant 0 : i32
      %dma_start3A_18 = arith.constant 0 : i32
      %dma_start3A_19 = tpu.memref_slice %arg4[%add3A, %dma_start3A, %dma_start3A_18] : memref<32x2x5120xi32, #tpu.memory_space<hbm>> -> memref<1x2x5120xi32, #tpu.memory_space<hbm>>
      %dma_start3A_20 = tpu.memref_squeeze %dma_start3A_19 : memref<1x2x5120xi32, #tpu.memory_space<hbm>> -> memref<2x5120xi32, #tpu.memory_space<hbm>>
      %dma_start3A_21 = arith.constant 0 : i32
      %dma_start3A_22 = arith.constant 0 : i32
      %dma_start3A_23 = tpu.memref_slice %arg4[%add3A, %dma_start3A_21, %dma_start3A_22] : memref<32x2x5120xi32, #tpu.memory_space<hbm>> -> memref<1x2x5120xi32, #tpu.memory_space<hbm>>
      %dma_start3A_24 = tpu.memref_squeeze %dma_start3A_23 : memref<1x2x5120xi32, #tpu.memory_space<hbm>> -> memref<2x5120xi32, #tpu.memory_space<hbm>>
      tpu.enqueue_dma source(%dma_start3A_24 : memref<2x5120xi32, #tpu.memory_space<hbm>>) target(%arg8 : memref<2x5120xi32, #tpu.memory_space<vmem>>) target_semaphore(%run_scoped3A : memref<!tpu.dma_semaphore, #tpu.memory_space<semaphore_mem>>)
      %dma_wait3A = arith.constant 0 : i32
      %dma_wait3A_25 = arith.constant 0 : i32
      %dma_wait3A_26 = tpu.memref_slice %arg4[%add3A, %dma_wait3A, %dma_wait3A_25] : memref<32x2x5120xi32, #tpu.memory_space<hbm>> -> memref<1x2x5120xi32, #tpu.memory_space<hbm>>
      %dma_wait3A_27 = tpu.memref_squeeze %dma_wait3A_26 : memref<1x2x5120xi32, #tpu.memory_space<hbm>> -> memref<2x5120xi32, #tpu.memory_space<hbm>>
      %dma_wait3A_28 = arith.constant 0 : i32
      %dma_wait3A_29 = arith.constant 0 : i32
      %dma_wait3A_30 = tpu.memref_slice %arg4[%add3A, %dma_wait3A_28, %dma_wait3A_29] : memref<32x2x5120xi32, #tpu.memory_space<hbm>> -> memref<1x2x5120xi32, #tpu.memory_space<hbm>>
      %dma_wait3A_31 = tpu.memref_squeeze %dma_wait3A_30 : memref<1x2x5120xi32, #tpu.memory_space<hbm>> -> memref<2x5120xi32, #tpu.memory_space<hbm>>
      tpu.wait_dma2 semaphore(%run_scoped3A : memref<!tpu.dma_semaphore, #tpu.memory_space<semaphore_mem>>) src(%dma_wait3A_31 : memref<2x5120xi32, #tpu.memory_space<hbm>>) dst(%arg8 : memref<2x5120xi32, #tpu.memory_space<vmem>>)
      tpu.yield
    }) : () -> ()
    %mul3A_1 = arith.constant 625 : i32
    %mul3A_2 = arith.muli %arg1, %mul3A_1 : i32
    %mul3A_3 = arith.constant 625 : i32
    %mul3A_4 = arith.muli %arg1, %mul3A_3 : i32
    "tpu.region"() ({
      %run_scoped3A = tpu.sem_alloc : memref<!tpu.dma_semaphore, #tpu.memory_space<semaphore_mem>>
      %dma_start3A = arith.constant 0 : i32
      %dma_start3A_18 = tpu.memref_slice %arg10[%mul3A_4, %dma_start3A] : memref<10000x16xf32, #tpu.memory_space<vmem_shared>> -> memref<625x16xf32, #tpu.memory_space<vmem_shared>>
      %dma_start3A_19 = arith.constant 0 : i32
      %dma_start3A_20 = tpu.memref_slice %arg2[%mul3A_2, %dma_start3A_19] : memref<10000x16xf32, #tpu.memory_space<hbm>> -> memref<625x16xf32, #tpu.memory_space<hbm>>
      tpu.enqueue_dma source(%dma_start3A_20 : memref<625x16xf32, #tpu.memory_space<hbm>>) target(%dma_start3A_18 : memref<625x16xf32, #tpu.memory_space<vmem_shared>>) target_semaphore(%run_scoped3A : memref<!tpu.dma_semaphore, #tpu.memory_space<semaphore_mem>>)
      %dma_wait3A = arith.constant 0 : i32
      %dma_wait3A_21 = tpu.memref_slice %arg10[%mul3A_4, %dma_wait3A] : memref<10000x16xf32, #tpu.memory_space<vmem_shared>> -> memref<625x16xf32, #tpu.memory_space<vmem_shared>>
      %dma_wait3A_22 = arith.constant 0 : i32
      %dma_wait3A_23 = tpu.memref_slice %arg2[%mul3A_2, %dma_wait3A_22] : memref<10000x16xf32, #tpu.memory_space<hbm>> -> memref<625x16xf32, #tpu.memory_space<hbm>>
      tpu.wait_dma2 semaphore(%run_scoped3A : memref<!tpu.dma_semaphore, #tpu.memory_space<semaphore_mem>>) src(%dma_wait3A_23 : memref<625x16xf32, #tpu.memory_space<hbm>>) dst(%dma_wait3A_21 : memref<625x16xf32, #tpu.memory_space<vmem_shared>>)
      tpu.yield
    }) : () -> ()
    %mul3A_5 = arith.constant 640 : i32
    %mul3A_6 = arith.muli %arg1, %mul3A_5 : i32
    %mul3A_7 = arith.constant 640 : i32
    %mul3A_8 = arith.muli %arg1, %mul3A_7 : i32
    "tpu.region"() ({
      %run_scoped3A = tpu.sem_alloc : memref<!tpu.dma_semaphore, #tpu.memory_space<semaphore_mem>>
      %dma_start3A = arith.constant 0 : i32
      %dma_start3A_18 = tpu.memref_slice %arg11[%mul3A_8, %dma_start3A] : memref<10240x16xf32, #tpu.memory_space<vmem_shared>> -> memref<640x16xf32, #tpu.memory_space<vmem_shared>>
      %dma_start3A_19 = arith.constant 0 : i32
      %dma_start3A_20 = tpu.memref_slice %arg5[%mul3A_6, %dma_start3A_19] : memref<10240x16xf32, #tpu.memory_space<hbm>> -> memref<640x16xf32, #tpu.memory_space<hbm>>
      tpu.enqueue_dma source(%dma_start3A_20 : memref<640x16xf32, #tpu.memory_space<hbm>>) target(%dma_start3A_18 : memref<640x16xf32, #tpu.memory_space<vmem_shared>>) target_semaphore(%run_scoped3A : memref<!tpu.dma_semaphore, #tpu.memory_space<semaphore_mem>>)
      %dma_wait3A = arith.constant 0 : i32
      %dma_wait3A_21 = tpu.memref_slice %arg11[%mul3A_8, %dma_wait3A] : memref<10240x16xf32, #tpu.memory_space<vmem_shared>> -> memref<640x16xf32, #tpu.memory_space<vmem_shared>>
      %dma_wait3A_22 = arith.constant 0 : i32
      %dma_wait3A_23 = tpu.memref_slice %arg5[%mul3A_6, %dma_wait3A_22] : memref<10240x16xf32, #tpu.memory_space<hbm>> -> memref<640x16xf32, #tpu.memory_space<hbm>>
      tpu.wait_dma2 semaphore(%run_scoped3A : memref<!tpu.dma_semaphore, #tpu.memory_space<semaphore_mem>>) src(%dma_wait3A_23 : memref<640x16xf32, #tpu.memory_space<hbm>>) dst(%dma_wait3A_21 : memref<640x16xf32, #tpu.memory_space<vmem_shared>>)
      tpu.yield
    }) : () -> ()
    %barrier3A = arith.constant 0 : index
    tpu.barrier barrier_id(%barrier3A)
    %scan3A = arith.constant 0 : i32
    %scan3A_9 = arith.constant 2 : i32
    %scan3A_10 = arith.addi %scan3A, %scan3A_9 : i32
    %scan3A_11 = arith.constant 1 : i32
    scf.for %scan3A_18 = %scan3A to %scan3A_10 step %scan3A_11  : i32 {
      %mul3A_19 = arith.constant 1 : i32
      %mul3A_20 = arith.muli %scan3A_18, %mul3A_19 : i32
      %add3A_21 = arith.constant 0 : i32
      %add3A_22 = arith.addi %add3A_21, %mul3A_20 : i32
      "tpu.region"() ({
        %run_scoped3A = tpu.sem_alloc : memref<!tpu.dma_semaphore, #tpu.memory_space<semaphore_mem>>
        %dma_start3A = arith.constant 0 : i32
        %dma_start3A_23 = tpu.memref_slice %arg7[%add3A_22, %dma_start3A] : memref<2x5120xi32, #tpu.memory_space<vmem>> -> memref<1x5120xi32, #tpu.memory_space<vmem>>
        %dma_start3A_24 = tpu.memref_squeeze %dma_start3A_23 : memref<1x5120xi32, #tpu.memory_space<vmem>> -> memref<5120xi32, #tpu.memory_space<vmem>>
        %dma_start3A_25 = arith.constant 0 : i32
        %dma_start3A_26 = arith.constant 0 : i32
        %dma_start3A_27 = tpu.memref_slice %arg10[%dma_start3A_25, %dma_start3A_26] : memref<10000x16xf32, #tpu.memory_space<vmem_shared>> -> memref<10000x16xf32, #tpu.memory_space<vmem_shared>>
        tpu.enqueue_indirect_dma source(%dma_start3A_27 : memref<10000x16xf32, #tpu.memory_space<vmem_shared>>) target(%arg9 : memref<5120x16xf32, #tpu.memory_space<vmem>>) offsets(%dma_start3A_24 : memref<5120xi32, #tpu.memory_space<vmem>>) semaphore(%run_scoped3A : memref<!tpu.dma_semaphore, #tpu.memory_space<semaphore_mem>>)
        %dma_wait3A = arith.constant 0 : i32
        %dma_wait3A_28 = tpu.memref_slice %arg7[%add3A_22, %dma_wait3A] : memref<2x5120xi32, #tpu.memory_space<vmem>> -> memref<1x5120xi32, #tpu.memory_space<vmem>>
        %dma_wait3A_29 = tpu.memref_squeeze %dma_wait3A_28 : memref<1x5120xi32, #tpu.memory_space<vmem>> -> memref<5120xi32, #tpu.memory_space<vmem>>
        %dma_wait3A_30 = arith.constant 0 : i32
        %dma_wait3A_31 = arith.constant 0 : i32
        %dma_wait3A_32 = tpu.memref_slice %arg10[%dma_wait3A_30, %dma_wait3A_31] : memref<10000x16xf32, #tpu.memory_space<vmem_shared>> -> memref<10000x16xf32, #tpu.memory_space<vmem_shared>>
        tpu.wait_indirect_dma semaphore(%run_scoped3A : memref<!tpu.dma_semaphore, #tpu.memory_space<semaphore_mem>>) src(%dma_wait3A_32 : memref<10000x16xf32, #tpu.memory_space<vmem_shared>>) dst(%arg9 : memref<5120x16xf32, #tpu.memory_space<vmem>>)
        tpu.yield
      }) : () -> ()
      "tpu.region"() ({
        %run_scoped3A = tpu.sem_alloc : memref<!tpu.dma_semaphore, #tpu.memory_space<semaphore_mem>>
        %dma_start3A = arith.constant 0 : i32
        %dma_start3A_23 = tpu.memref_slice %arg8[%add3A_22, %dma_start3A] : memref<2x5120xi32, #tpu.memory_space<vmem>> -> memref<1x5120xi32, #tpu.memory_space<vmem>>
        %dma_start3A_24 = tpu.memref_squeeze %dma_start3A_23 : memref<1x5120xi32, #tpu.memory_space<vmem>> -> memref<5120xi32, #tpu.memory_space<vmem>>
        %dma_start3A_25 = arith.constant 0 : i32
        %dma_start3A_26 = arith.constant 0 : i32
        %dma_start3A_27 = tpu.memref_slice %arg11[%dma_start3A_25, %dma_start3A_26] : memref<10240x16xf32, #tpu.memory_space<vmem_shared>> -> memref<10240x16xf32, #tpu.memory_space<vmem_shared>>
        tpu.enqueue_indirect_dma source(%arg9 : memref<5120x16xf32, #tpu.memory_space<vmem>>) target(%dma_start3A_27 : memref<10240x16xf32, #tpu.memory_space<vmem_shared>>) offsets(%dma_start3A_24 : memref<5120xi32, #tpu.memory_space<vmem>>) semaphore(%run_scoped3A : memref<!tpu.dma_semaphore, #tpu.memory_space<semaphore_mem>>) {add = true}
        %dma_wait3A = arith.constant 0 : i32
        %dma_wait3A_28 = tpu.memref_slice %arg8[%add3A_22, %dma_wait3A] : memref<2x5120xi32, #tpu.memory_space<vmem>> -> memref<1x5120xi32, #tpu.memory_space<vmem>>
        %dma_wait3A_29 = tpu.memref_squeeze %dma_wait3A_28 : memref<1x5120xi32, #tpu.memory_space<vmem>> -> memref<5120xi32, #tpu.memory_space<vmem>>
        %dma_wait3A_30 = arith.constant 0 : i32
        %dma_wait3A_31 = arith.constant 0 : i32
        %dma_wait3A_32 = tpu.memref_slice %arg11[%dma_wait3A_30, %dma_wait3A_31] : memref<10240x16xf32, #tpu.memory_space<vmem_shared>> -> memref<10240x16xf32, #tpu.memory_space<vmem_shared>>
        tpu.wait_indirect_dma semaphore(%run_scoped3A : memref<!tpu.dma_semaphore, #tpu.memory_space<semaphore_mem>>) src(%arg9 : memref<5120x16xf32, #tpu.memory_space<vmem>>) dst(%dma_wait3A_32 : memref<10240x16xf32, #tpu.memory_space<vmem_shared>>)
        tpu.yield
      }) : () -> ()
    }
    %scan3A_12 = arith.constant 2 : i32
    %barrier3A_13 = arith.constant 0 : index
    tpu.barrier barrier_id(%barrier3A_13)
    %mul3A_14 = arith.constant 640 : i32
    %mul3A_15 = arith.muli %arg1, %mul3A_14 : i32
    %mul3A_16 = arith.constant 640 : i32
    %mul3A_17 = arith.muli %arg1, %mul3A_16 : i32
    "tpu.region"() ({
      %run_scoped3A = tpu.sem_alloc : memref<!tpu.dma_semaphore, #tpu.memory_space<semaphore_mem>>
      %dma_start3A = arith.constant 0 : i32
      %dma_start3A_18 = arith.constant 0 : i32
      %dma_start3A_19 = tpu.memref_slice %arg6[%arg0, %dma_start3A, %dma_start3A_18] : memref<2x10240x16xf32, #tpu.memory_space<hbm>> -> memref<1x10240x16xf32, #tpu.memory_space<hbm>>
      %dma_start3A_20 = tpu.memref_squeeze %dma_start3A_19 : memref<1x10240x16xf32, #tpu.memory_space<hbm>> -> memref<10240x16xf32, #tpu.memory_space<hbm>>
      %dma_start3A_21 = arith.constant 0 : i32
      %dma_start3A_22 = tpu.memref_slice %dma_start3A_20[%mul3A_17, %dma_start3A_21] : memref<10240x16xf32, #tpu.memory_space<hbm>> -> memref<640x16xf32, #tpu.memory_space<hbm>>
      %dma_start3A_23 = arith.constant 0 : i32
      %dma_start3A_24 = tpu.memref_slice %arg11[%mul3A_15, %dma_start3A_23] : memref<10240x16xf32, #tpu.memory_space<vmem_shared>> -> memref<640x16xf32, #tpu.memory_space<vmem_shared>>
      tpu.enqueue_dma source(%dma_start3A_24 : memref<640x16xf32, #tpu.memory_space<vmem_shared>>) target(%dma_start3A_22 : memref<640x16xf32, #tpu.memory_space<hbm>>) target_semaphore(%run_scoped3A : memref<!tpu.dma_semaphore, #tpu.memory_space<semaphore_mem>>)
      %dma_wait3A = arith.constant 0 : i32
      %dma_wait3A_25 = arith.constant 0 : i32
      %dma_wait3A_26 = tpu.memref_slice %arg6[%arg0, %dma_wait3A, %dma_wait3A_25] : memref<2x10240x16xf32, #tpu.memory_space<hbm>> -> memref<1x10240x16xf32, #tpu.memory_space<hbm>>
      %dma_wait3A_27 = tpu.memref_squeeze %dma_wait3A_26 : memref<1x10240x16xf32, #tpu.memory_space<hbm>> -> memref<10240x16xf32, #tpu.memory_space<hbm>>
      %dma_wait3A_28 = arith.constant 0 : i32
      %dma_wait3A_29 = tpu.memref_slice %dma_wait3A_27[%mul3A_17, %dma_wait3A_28] : memref<10240x16xf32, #tpu.memory_space<hbm>> -> memref<640x16xf32, #tpu.memory_space<hbm>>
      %dma_wait3A_30 = arith.constant 0 : i32
      %dma_wait3A_31 = tpu.memref_slice %arg11[%mul3A_15, %dma_wait3A_30] : memref<10240x16xf32, #tpu.memory_space<vmem_shared>> -> memref<640x16xf32, #tpu.memory_space<vmem_shared>>
      tpu.wait_dma2 semaphore(%run_scoped3A : memref<!tpu.dma_semaphore, #tpu.memory_space<semaphore_mem>>) src(%dma_wait3A_31 : memref<640x16xf32, #tpu.memory_space<vmem_shared>>) dst(%dma_wait3A_29 : memref<640x16xf32, #tpu.memory_space<hbm>>)
      tpu.yield
    }) : () -> ()
    return
  }
}

module attributes {stable_mosaic.version = 14 : i64} {
  func.func @body(%arg0: i32, %arg1: memref<2x2000x16xf32, #tpu.memory_space<vmem>>, %arg2: memref<2000x128xf32, #tpu.memory_space<vmem>>, %arg3: memref<128x16xf32, #tpu.memory_space<vmem>>, %arg4: memref<2000x16xf32, #tpu.memory_space<vmem>>, %arg5: memref<2000x16xf32, #tpu.memory_space<vmem>>) attributes {dimension_semantics = [#tpu.dimension_semantics<arbitrary>], iteration_bounds = array<i64: 5>, scalar_prefetch = 0 : i64, scratch_operands = 0 : i64, tpu.core_type = #tpu.core_type<tc>, window_params = [{transform_indices = @transform_0, window_bounds = array<i64: 2, 2000, 16>}, {transform_indices = @transform_1, window_bounds = array<i64: 2000, 128>}, {pipeline_mode = #tpu.pipeline_mode<synchronous>, transform_indices = @transform_2, window_bounds = array<i64: 128, 16>}, {transform_indices = @transform_3, window_bounds = array<i64: 2000, 16>}, {transform_indices = @transform_4, window_bounds = array<i64: 2000, 16>}]} {
    %get3A = arith.constant 0 : index
    %get3A_0 = arith.constant 0 : index
    %get3A_1 = arith.constant 0 : index
    %get3A_2 = vector.load %arg1[%get3A, %get3A_0, %get3A_1] : memref<2x2000x16xf32, #tpu.memory_space<vmem>>, vector<1x2000x1xf32>
    %get3A_3 = vector.shape_cast %get3A_2 : vector<1x2000x1xf32> to vector<2000x1xf32>
    %add3A = arith.constant 1.000000e+00 : f32
    %add3A_4 = vector.broadcast %add3A : f32 to vector<2000x1xf32>
    %add3A_5 = arith.addf %add3A_4, %get3A_3 : vector<2000x1xf32>
    %get3A_6 = arith.constant 1 : index
    %get3A_7 = arith.constant 0 : index
    %get3A_8 = arith.constant 0 : index
    %get3A_9 = vector.load %arg1[%get3A_6, %get3A_7, %get3A_8] : memref<2x2000x16xf32, #tpu.memory_space<vmem>>, vector<1x2000x1xf32>
    %get3A_10 = vector.shape_cast %get3A_9 : vector<1x2000x1xf32> to vector<2000x1xf32>
    %add3A_11 = arith.addf %add3A_5, %get3A_10 : vector<2000x1xf32>
    %rsqrt3A = math.rsqrt %add3A_11 : vector<2000x1xf32>
    %broadcast_in_dim3A = vector.shape_cast %rsqrt3A : vector<2000x1xf32> to vector<2000x1xf32>
    %broadcast_in_dim3A_12 = vector.broadcast %broadcast_in_dim3A : vector<2000x1xf32> to vector<2000x16xf32>
    %swap3A = arith.constant 0 : index
    %swap3A_13 = arith.constant 0 : index
    %swap3A_14 = vector.load %arg4[%swap3A, %swap3A_13] : memref<2000x16xf32, #tpu.memory_space<vmem>>, vector<2000x16xf32>
    tpu.vector_store %arg4[%swap3A, %swap3A_13], %broadcast_in_dim3A_12 {strides = array<i32>} : memref<2000x16xf32, #tpu.memory_space<vmem>>, vector<2000x16xf32>,
    %get3A_15 = arith.constant 0 : index
    %get3A_16 = arith.constant 0 : index
    %get3A_17 = vector.load %arg2[%get3A_15, %get3A_16] : memref<2000x128xf32, #tpu.memory_space<vmem>>, vector<2000x128xf32>
    %get3A_18 = arith.constant 0 : index
    %get3A_19 = arith.constant 0 : index
    %get3A_20 = vector.load %arg3[%get3A_18, %get3A_19] : memref<128x16xf32, #tpu.memory_space<vmem>>, vector<128x16xf32>
    %dot_general3A = arith.constant dense<0.000000e+00> : vector<2000x16xf32>
    %dot_general3A_21 = tpu.matmul %get3A_17, %get3A_20, %dot_general3A {dimension_numbers = #tpu.dot_dimension_numbers<[1], [0], [0], [1], [0, 0, 1, 1], [], []>, transpose_lhs_hint = false} : vector<2000x128xf32>, vector<128x16xf32>, vector<2000x16xf32> -> vector<2000x16xf32>
    %mul3A = vector.broadcast %rsqrt3A : vector<2000x1xf32> to vector<2000x16xf32>
    %mul3A_22 = arith.mulf %dot_general3A_21, %mul3A : vector<2000x16xf32>
    %swap3A_23 = arith.constant 0 : index
    %swap3A_24 = arith.constant 0 : index
    %swap3A_25 = vector.load %arg5[%swap3A_23, %swap3A_24] : memref<2000x16xf32, #tpu.memory_space<vmem>>, vector<2000x16xf32>
    tpu.vector_store %arg5[%swap3A_23, %swap3A_24], %mul3A_22 {strides = array<i32>} : memref<2000x16xf32, #tpu.memory_space<vmem>>, vector<2000x16xf32>,
    return
  }
  func.func @transform_0(%arg0: i32) -> (i32, i32, i32) {
    %c0_i32 = arith.constant 0 : i32
    %c0_i32_0 = arith.constant 0 : i32
    %c0_i32_1 = arith.constant 0 : i32
    return %c0_i32, %arg0, %c0_i32_0 : i32, i32, i32
  }
  func.func @transform_1(%arg0: i32) -> (i32, i32) {
    %c0_i32 = arith.constant 0 : i32
    %c0_i32_0 = arith.constant 0 : i32
    return %arg0, %c0_i32 : i32, i32
  }
  func.func @transform_2(%arg0: i32) -> (i32, i32) {
    %c0_i32 = arith.constant 0 : i32
    %c0_i32_0 = arith.constant 0 : i32
    %c0_i32_1 = arith.constant 0 : i32
    return %c0_i32, %c0_i32_0 : i32, i32
  }
  func.func @transform_3(%arg0: i32) -> (i32, i32) {
    %c0_i32 = arith.constant 0 : i32
    %c0_i32_0 = arith.constant 0 : i32
    return %arg0, %c0_i32 : i32, i32
  }
  func.func @transform_4(%arg0: i32) -> (i32, i32) {
    %c0_i32 = arith.constant 0 : i32
    %c0_i32_0 = arith.constant 0 : i32
    return %arg0, %c0_i32 : i32, i32
  }
}

module attributes {stable_mosaic.version = 14 : i64} {
  func.func @body(%arg0: i32, %arg1: memref<2x2000x16xf32, #tpu.memory_space<vmem>>, %arg2: memref<2000x16xf32, #tpu.memory_space<vmem>>, %arg3: memref<2000x16xf32, #tpu.memory_space<vmem>>, %arg4: memref<1x16xf32, #tpu.memory_space<vmem>>, %arg5: memref<16x16xf32, #tpu.memory_space<vmem>>, %arg6: memref<2000x16xf32, #tpu.memory_space<vmem>>) attributes {dimension_semantics = [#tpu.dimension_semantics<arbitrary>], iteration_bounds = array<i64: 5>, scalar_prefetch = 0 : i64, scratch_operands = 0 : i64, tpu.core_type = #tpu.core_type<tc>, window_params = [{transform_indices = @transform_0, window_bounds = array<i64: 2, 2000, 16>}, {transform_indices = @transform_1, window_bounds = array<i64: 2000, 16>}, {transform_indices = @transform_2, window_bounds = array<i64: 2000, 16>}, {pipeline_mode = #tpu.pipeline_mode<synchronous>, transform_indices = @transform_3, window_bounds = array<i64: 1, 16>}, {pipeline_mode = #tpu.pipeline_mode<synchronous>, transform_indices = @transform_4, window_bounds = array<i64: 16, 16>}, {transform_indices = @transform_5, window_bounds = array<i64: 2000, 16>}]} {
    %get3A = arith.constant 0 : index
    %get3A_0 = arith.constant 0 : index
    %get3A_1 = arith.constant 0 : index
    %get3A_2 = vector.load %arg1[%get3A, %get3A_0, %get3A_1] : memref<2x2000x16xf32, #tpu.memory_space<vmem>>, vector<1x2000x16xf32>
    %get3A_3 = vector.shape_cast %get3A_2 : vector<1x2000x16xf32> to vector<2000x16xf32>
    %get3A_4 = arith.constant 1 : index
    %get3A_5 = arith.constant 0 : index
    %get3A_6 = arith.constant 0 : index
    %get3A_7 = vector.load %arg1[%get3A_4, %get3A_5, %get3A_6] : memref<2x2000x16xf32, #tpu.memory_space<vmem>>, vector<1x2000x16xf32>
    %get3A_8 = vector.shape_cast %get3A_7 : vector<1x2000x16xf32> to vector<2000x16xf32>
    %add3A = arith.addf %get3A_3, %get3A_8 : vector<2000x16xf32>
    %get3A_9 = arith.constant 0 : index
    %get3A_10 = arith.constant 0 : index
    %get3A_11 = vector.load %arg2[%get3A_9, %get3A_10] : memref<2000x16xf32, #tpu.memory_space<vmem>>, vector<2000x16xf32>
    %add3A_12 = arith.addf %add3A, %get3A_11 : vector<2000x16xf32>
    %get3A_13 = arith.constant 0 : index
    %get3A_14 = arith.constant 0 : index
    %get3A_15 = vector.load %arg3[%get3A_13, %get3A_14] : memref<2000x16xf32, #tpu.memory_space<vmem>>, vector<2000x16xf32>
    %mul3A = arith.mulf %get3A_15, %add3A_12 : vector<2000x16xf32>
    %get3A_16 = arith.constant 0 : index
    %get3A_17 = arith.constant 0 : index
    %get3A_18 = vector.load %arg4[%get3A_16, %get3A_17] : memref<1x16xf32, #tpu.memory_space<vmem>>, vector<1x16xf32>
    %add3A_19 = vector.broadcast %get3A_18 : vector<1x16xf32> to vector<2000x16xf32>
    %add3A_20 = arith.addf %mul3A, %add3A_19 : vector<2000x16xf32>
    %gt3A = arith.constant 0.000000e+00 : f32
    %gt3A_21 = vector.broadcast %gt3A : f32 to vector<2000x16xf32>
    %gt3A_22 = arith.cmpf ogt, %add3A_20, %gt3A_21 : vector<2000x16xf32>
    %min3A = arith.constant 0.000000e+00 : f32
    %min3A_23 = vector.broadcast %min3A : f32 to vector<2000x16xf32>
    %min3A_24 = arith.minimumf %add3A_20, %min3A_23 : vector<2000x16xf32>
    %exp3A = math.exp %min3A_24 : vector<2000x16xf32>
    %sub3A = arith.constant 1.000000e+00 : f32
    %sub3A_25 = vector.broadcast %sub3A : f32 to vector<2000x16xf32>
    %sub3A_26 = arith.subf %exp3A, %sub3A_25 : vector<2000x16xf32>
    %select_n3A = arith.select %gt3A_22, %add3A_20, %sub3A_26 : vector<2000x16xi1>, vector<2000x16xf32>
    %get3A_27 = arith.constant 0 : index
    %get3A_28 = arith.constant 0 : index
    %get3A_29 = vector.load %arg5[%get3A_27, %get3A_28] : memref<16x16xf32, #tpu.memory_space<vmem>>, vector<16x16xf32>
    %dot_general3A = arith.constant dense<0.000000e+00> : vector<2000x16xf32>
    %dot_general3A_30 = tpu.matmul %select_n3A, %get3A_29, %dot_general3A {dimension_numbers = #tpu.dot_dimension_numbers<[1], [0], [0], [1], [0, 0, 1, 1], [], []>, transpose_lhs_hint = false} : vector<2000x16xf32>, vector<16x16xf32>, vector<2000x16xf32> -> vector<2000x16xf32>
    %get3A_31 = arith.constant 0 : index
    %get3A_32 = arith.constant 0 : index
    %get3A_33 = vector.load %arg3[%get3A_31, %get3A_32] : memref<2000x16xf32, #tpu.memory_space<vmem>>, vector<2000x16xf32>
    %mul3A_34 = arith.mulf %dot_general3A_30, %get3A_33 : vector<2000x16xf32>
    %swap3A = arith.constant 0 : index
    %swap3A_35 = arith.constant 0 : index
    %swap3A_36 = vector.load %arg6[%swap3A, %swap3A_35] : memref<2000x16xf32, #tpu.memory_space<vmem>>, vector<2000x16xf32>
    tpu.vector_store %arg6[%swap3A, %swap3A_35], %mul3A_34 {strides = array<i32>} : memref<2000x16xf32, #tpu.memory_space<vmem>>, vector<2000x16xf32>,
    return
  }
  func.func @transform_0(%arg0: i32) -> (i32, i32, i32) {
    %c0_i32 = arith.constant 0 : i32
    %c0_i32_0 = arith.constant 0 : i32
    %c0_i32_1 = arith.constant 0 : i32
    return %c0_i32, %arg0, %c0_i32_0 : i32, i32, i32
  }
  func.func @transform_1(%arg0: i32) -> (i32, i32) {
    %c0_i32 = arith.constant 0 : i32
    %c0_i32_0 = arith.constant 0 : i32
    return %arg0, %c0_i32 : i32, i32
  }
  func.func @transform_2(%arg0: i32) -> (i32, i32) {
    %c0_i32 = arith.constant 0 : i32
    %c0_i32_0 = arith.constant 0 : i32
    return %arg0, %c0_i32 : i32, i32
  }
  func.func @transform_3(%arg0: i32) -> (i32, i32) {
    %c0_i32 = arith.constant 0 : i32
    %c0_i32_0 = arith.constant 0 : i32
    %c0_i32_1 = arith.constant 0 : i32
    return %c0_i32, %c0_i32_0 : i32, i32
  }
  func.func @transform_4(%arg0: i32) -> (i32, i32) {
    %c0_i32 = arith.constant 0 : i32
    %c0_i32_0 = arith.constant 0 : i32
    %c0_i32_1 = arith.constant 0 : i32
    return %c0_i32, %c0_i32_0 : i32, i32
  }
  func.func @transform_5(%arg0: i32) -> (i32, i32) {
    %c0_i32 = arith.constant 0 : i32
    %c0_i32_0 = arith.constant 0 : i32
    return %arg0, %c0_i32 : i32, i32
  }
}

module attributes {stable_mosaic.version = 14 : i64} {
  func.func @body(%arg0: i32, %arg1: memref<2x2000x16xf32, #tpu.memory_space<vmem>>, %arg2: memref<2000x16xf32, #tpu.memory_space<vmem>>, %arg3: memref<2000x16xf32, #tpu.memory_space<vmem>>, %arg4: memref<1x16xf32, #tpu.memory_space<vmem>>, %arg5: memref<2000x16xf32, #tpu.memory_space<vmem>>) attributes {dimension_semantics = [#tpu.dimension_semantics<arbitrary>], iteration_bounds = array<i64: 5>, scalar_prefetch = 0 : i64, scratch_operands = 0 : i64, tpu.core_type = #tpu.core_type<tc>, window_params = [{transform_indices = @transform_0, window_bounds = array<i64: 2, 2000, 16>}, {transform_indices = @transform_1, window_bounds = array<i64: 2000, 16>}, {transform_indices = @transform_2, window_bounds = array<i64: 2000, 16>}, {pipeline_mode = #tpu.pipeline_mode<synchronous>, transform_indices = @transform_3, window_bounds = array<i64: 1, 16>}, {transform_indices = @transform_4, window_bounds = array<i64: 2000, 16>}]} {
    %get3A = arith.constant 0 : index
    %get3A_0 = arith.constant 0 : index
    %get3A_1 = arith.constant 0 : index
    %get3A_2 = vector.load %arg1[%get3A, %get3A_0, %get3A_1] : memref<2x2000x16xf32, #tpu.memory_space<vmem>>, vector<1x2000x16xf32>
    %get3A_3 = vector.shape_cast %get3A_2 : vector<1x2000x16xf32> to vector<2000x16xf32>
    %get3A_4 = arith.constant 1 : index
    %get3A_5 = arith.constant 0 : index
    %get3A_6 = arith.constant 0 : index
    %get3A_7 = vector.load %arg1[%get3A_4, %get3A_5, %get3A_6] : memref<2x2000x16xf32, #tpu.memory_space<vmem>>, vector<1x2000x16xf32>
    %get3A_8 = vector.shape_cast %get3A_7 : vector<1x2000x16xf32> to vector<2000x16xf32>
    %add3A = arith.addf %get3A_3, %get3A_8 : vector<2000x16xf32>
    %get3A_9 = arith.constant 0 : index
    %get3A_10 = arith.constant 0 : index
    %get3A_11 = vector.load %arg2[%get3A_9, %get3A_10] : memref<2000x16xf32, #tpu.memory_space<vmem>>, vector<2000x16xf32>
    %add3A_12 = arith.addf %add3A, %get3A_11 : vector<2000x16xf32>
    %get3A_13 = arith.constant 0 : index
    %get3A_14 = arith.constant 0 : index
    %get3A_15 = vector.load %arg3[%get3A_13, %get3A_14] : memref<2000x16xf32, #tpu.memory_space<vmem>>, vector<2000x16xf32>
    %mul3A = arith.mulf %get3A_15, %add3A_12 : vector<2000x16xf32>
    %get3A_16 = arith.constant 0 : index
    %get3A_17 = arith.constant 0 : index
    %get3A_18 = vector.load %arg4[%get3A_16, %get3A_17] : memref<1x16xf32, #tpu.memory_space<vmem>>, vector<1x16xf32>
    %add3A_19 = vector.broadcast %get3A_18 : vector<1x16xf32> to vector<2000x16xf32>
    %add3A_20 = arith.addf %mul3A, %add3A_19 : vector<2000x16xf32>
    %gt3A = arith.constant 0.000000e+00 : f32
    %gt3A_21 = vector.broadcast %gt3A : f32 to vector<2000x16xf32>
    %gt3A_22 = arith.cmpf ogt, %add3A_20, %gt3A_21 : vector<2000x16xf32>
    %min3A = arith.constant 0.000000e+00 : f32
    %min3A_23 = vector.broadcast %min3A : f32 to vector<2000x16xf32>
    %min3A_24 = arith.minimumf %add3A_20, %min3A_23 : vector<2000x16xf32>
    %exp3A = math.exp %min3A_24 : vector<2000x16xf32>
    %sub3A = arith.constant 1.000000e+00 : f32
    %sub3A_25 = vector.broadcast %sub3A : f32 to vector<2000x16xf32>
    %sub3A_26 = arith.subf %exp3A, %sub3A_25 : vector<2000x16xf32>
    %select_n3A = arith.select %gt3A_22, %add3A_20, %sub3A_26 : vector<2000x16xi1>, vector<2000x16xf32>
    %get3A_27 = arith.constant 0 : index
    %get3A_28 = arith.constant 0 : index
    %get3A_29 = vector.load %arg3[%get3A_27, %get3A_28] : memref<2000x16xf32, #tpu.memory_space<vmem>>, vector<2000x16xf32>
    %mul3A_30 = arith.mulf %select_n3A, %get3A_29 : vector<2000x16xf32>
    %swap3A = arith.constant 0 : index
    %swap3A_31 = arith.constant 0 : index
    %swap3A_32 = vector.load %arg5[%swap3A, %swap3A_31] : memref<2000x16xf32, #tpu.memory_space<vmem>>, vector<2000x16xf32>
    tpu.vector_store %arg5[%swap3A, %swap3A_31], %mul3A_30 {strides = array<i32>} : memref<2000x16xf32, #tpu.memory_space<vmem>>, vector<2000x16xf32>,
    return
  }
  func.func @transform_0(%arg0: i32) -> (i32, i32, i32) {
    %c0_i32 = arith.constant 0 : i32
    %c0_i32_0 = arith.constant 0 : i32
    %c0_i32_1 = arith.constant 0 : i32
    return %c0_i32, %arg0, %c0_i32_0 : i32, i32, i32
  }
  func.func @transform_1(%arg0: i32) -> (i32, i32) {
    %c0_i32 = arith.constant 0 : i32
    %c0_i32_0 = arith.constant 0 : i32
    return %arg0, %c0_i32 : i32, i32
  }
  func.func @transform_2(%arg0: i32) -> (i32, i32) {
    %c0_i32 = arith.constant 0 : i32
    %c0_i32_0 = arith.constant 0 : i32
    return %arg0, %c0_i32 : i32, i32
  }
  func.func @transform_3(%arg0: i32) -> (i32, i32) {
    %c0_i32 = arith.constant 0 : i32
    %c0_i32_0 = arith.constant 0 : i32
    %c0_i32_1 = arith.constant 0 : i32
    return %c0_i32, %c0_i32_0 : i32, i32
  }
  func.func @transform_4(%arg0: i32) -> (i32, i32) {
    %c0_i32 = arith.constant 0 : i32
    %c0_i32_0 = arith.constant 0 : i32
    return %arg0, %c0_i32 : i32, i32
  }
}

module attributes {stable_mosaic.version = 14 : i64} {
  func.func @body(%arg0: i32, %arg1: memref<2x2000x16xf32, #tpu.memory_space<vmem>>, %arg2: memref<2000x16xf32, #tpu.memory_space<vmem>>, %arg3: memref<2000x16xf32, #tpu.memory_space<vmem>>, %arg4: memref<1x40xf32, #tpu.memory_space<vmem>>, %arg5: memref<16x40xf32, #tpu.memory_space<vmem>>, %arg6: memref<2000x40xf32, #tpu.memory_space<vmem>>) attributes {dimension_semantics = [#tpu.dimension_semantics<arbitrary>], iteration_bounds = array<i64: 5>, scalar_prefetch = 0 : i64, scratch_operands = 0 : i64, tpu.core_type = #tpu.core_type<tc>, window_params = [{transform_indices = @transform_0, window_bounds = array<i64: 2, 2000, 16>}, {transform_indices = @transform_1, window_bounds = array<i64: 2000, 16>}, {transform_indices = @transform_2, window_bounds = array<i64: 2000, 16>}, {pipeline_mode = #tpu.pipeline_mode<synchronous>, transform_indices = @transform_3, window_bounds = array<i64: 1, 40>}, {pipeline_mode = #tpu.pipeline_mode<synchronous>, transform_indices = @transform_4, window_bounds = array<i64: 16, 40>}, {transform_indices = @transform_5, window_bounds = array<i64: 2000, 40>}]} {
    %get3A = arith.constant 0 : index
    %get3A_0 = arith.constant 0 : index
    %get3A_1 = arith.constant 0 : index
    %get3A_2 = vector.load %arg1[%get3A, %get3A_0, %get3A_1] : memref<2x2000x16xf32, #tpu.memory_space<vmem>>, vector<1x2000x16xf32>
    %get3A_3 = vector.shape_cast %get3A_2 : vector<1x2000x16xf32> to vector<2000x16xf32>
    %get3A_4 = arith.constant 1 : index
    %get3A_5 = arith.constant 0 : index
    %get3A_6 = arith.constant 0 : index
    %get3A_7 = vector.load %arg1[%get3A_4, %get3A_5, %get3A_6] : memref<2x2000x16xf32, #tpu.memory_space<vmem>>, vector<1x2000x16xf32>
    %get3A_8 = vector.shape_cast %get3A_7 : vector<1x2000x16xf32> to vector<2000x16xf32>
    %add3A = arith.addf %get3A_3, %get3A_8 : vector<2000x16xf32>
    %get3A_9 = arith.constant 0 : index
    %get3A_10 = arith.constant 0 : index
    %get3A_11 = vector.load %arg2[%get3A_9, %get3A_10] : memref<2000x16xf32, #tpu.memory_space<vmem>>, vector<2000x16xf32>
    %add3A_12 = arith.addf %add3A, %get3A_11 : vector<2000x16xf32>
    %get3A_13 = arith.constant 0 : index
    %get3A_14 = arith.constant 0 : index
    %get3A_15 = vector.load %arg5[%get3A_13, %get3A_14] : memref<16x40xf32, #tpu.memory_space<vmem>>, vector<16x40xf32>
    %dot_general3A = arith.constant dense<0.000000e+00> : vector<2000x40xf32>
    %dot_general3A_16 = tpu.matmul %add3A_12, %get3A_15, %dot_general3A {dimension_numbers = #tpu.dot_dimension_numbers<[1], [0], [0], [1], [0, 0, 1, 1], [], []>, transpose_lhs_hint = false} : vector<2000x16xf32>, vector<16x40xf32>, vector<2000x40xf32> -> vector<2000x40xf32>
    %get3A_17 = arith.constant 0 : index
    %get3A_18 = arith.constant 0 : index
    %get3A_19 = vector.load %arg3[%get3A_17, %get3A_18] : memref<2000x16xf32, #tpu.memory_space<vmem>>, vector<2000x1xf32>
    %mul3A = vector.broadcast %get3A_19 : vector<2000x1xf32> to vector<2000x40xf32>
    %mul3A_20 = arith.mulf %mul3A, %dot_general3A_16 : vector<2000x40xf32>
    %get3A_21 = arith.constant 0 : index
    %get3A_22 = arith.constant 0 : index
    %get3A_23 = vector.load %arg4[%get3A_21, %get3A_22] : memref<1x40xf32, #tpu.memory_space<vmem>>, vector<1x40xf32>
    %add3A_24 = vector.broadcast %get3A_23 : vector<1x40xf32> to vector<2000x40xf32>
    %add3A_25 = arith.addf %mul3A_20, %add3A_24 : vector<2000x40xf32>
    %gt3A = arith.constant 0.000000e+00 : f32
    %gt3A_26 = vector.broadcast %gt3A : f32 to vector<2000x40xf32>
    %gt3A_27 = arith.cmpf ogt, %add3A_25, %gt3A_26 : vector<2000x40xf32>
    %min3A = arith.constant 0.000000e+00 : f32
    %min3A_28 = vector.broadcast %min3A : f32 to vector<2000x40xf32>
    %min3A_29 = arith.minimumf %add3A_25, %min3A_28 : vector<2000x40xf32>
    %exp3A = math.exp %min3A_29 : vector<2000x40xf32>
    %sub3A = arith.constant 1.000000e+00 : f32
    %sub3A_30 = vector.broadcast %sub3A : f32 to vector<2000x40xf32>
    %sub3A_31 = arith.subf %exp3A, %sub3A_30 : vector<2000x40xf32>
    %select_n3A = arith.select %gt3A_27, %add3A_25, %sub3A_31 : vector<2000x40xi1>, vector<2000x40xf32>
    %reduce_max3A = arith.constant dense<0xFF800000> : vector<2000xf32>
    %reduce_max3A_32 = vector.multi_reduction <maximumf>, %select_n3A, %reduce_max3A [1] : vector<2000x40xf32> to vector<2000xf32>
    %broadcast_in_dim3A = vector.shape_cast %reduce_max3A_32 : vector<2000xf32> to vector<2000x1xf32>
    %sub3A_33 = vector.broadcast %broadcast_in_dim3A : vector<2000x1xf32> to vector<2000x40xf32>
    %sub3A_34 = arith.subf %select_n3A, %sub3A_33 : vector<2000x40xf32>
    %exp3A_35 = math.exp %sub3A_34 : vector<2000x40xf32>
    %reduce_sum3A = arith.constant dense<0.000000e+00> : vector<2000xf32>
    %reduce_sum3A_36 = vector.multi_reduction <add>, %exp3A_35, %reduce_sum3A [1] : vector<2000x40xf32> to vector<2000xf32>
    %broadcast_in_dim3A_37 = vector.shape_cast %reduce_sum3A_36 : vector<2000xf32> to vector<2000x1xf32>
    %log3A = math.log %broadcast_in_dim3A_37 : vector<2000x1xf32>
    %sub3A_38 = vector.broadcast %broadcast_in_dim3A : vector<2000x1xf32> to vector<2000x40xf32>
    %sub3A_39 = arith.subf %select_n3A, %sub3A_38 : vector<2000x40xf32>
    %sub3A_40 = vector.broadcast %log3A : vector<2000x1xf32> to vector<2000x40xf32>
    %sub3A_41 = arith.subf %sub3A_39, %sub3A_40 : vector<2000x40xf32>
    %swap3A = arith.constant 0 : index
    %swap3A_42 = arith.constant 0 : index
    %swap3A_43 = vector.load %arg6[%swap3A, %swap3A_42] : memref<2000x40xf32, #tpu.memory_space<vmem>>, vector<2000x40xf32>
    tpu.vector_store %arg6[%swap3A, %swap3A_42], %sub3A_41 {strides = array<i32>} : memref<2000x40xf32, #tpu.memory_space<vmem>>, vector<2000x40xf32>,
    return
  }
  func.func @transform_0(%arg0: i32) -> (i32, i32, i32) {
    %c0_i32 = arith.constant 0 : i32
    %c0_i32_0 = arith.constant 0 : i32
    %c0_i32_1 = arith.constant 0 : i32
    return %c0_i32, %arg0, %c0_i32_0 : i32, i32, i32
  }
  func.func @transform_1(%arg0: i32) -> (i32, i32) {
    %c0_i32 = arith.constant 0 : i32
    %c0_i32_0 = arith.constant 0 : i32
    return %arg0, %c0_i32 : i32, i32
  }
  func.func @transform_2(%arg0: i32) -> (i32, i32) {
    %c0_i32 = arith.constant 0 : i32
    %c0_i32_0 = arith.constant 0 : i32
    return %arg0, %c0_i32 : i32, i32
  }
  func.func @transform_3(%arg0: i32) -> (i32, i32) {
    %c0_i32 = arith.constant 0 : i32
    %c0_i32_0 = arith.constant 0 : i32
    %c0_i32_1 = arith.constant 0 : i32
    return %c0_i32, %c0_i32_0 : i32, i32
  }
  func.func @transform_4(%arg0: i32) -> (i32, i32) {
    %c0_i32 = arith.constant 0 : i32
    %c0_i32_0 = arith.constant 0 : i32
    %c0_i32_1 = arith.constant 0 : i32
    return %c0_i32, %c0_i32_0 : i32, i32
  }
  func.func @transform_5(%arg0: i32) -> (i32, i32) {
    %c0_i32 = arith.constant 0 : i32
    %c0_i32_0 = arith.constant 0 : i32
    return %arg0, %c0_i32 : i32, i32
  }
}

</mosaic_0001>

<sc_bundles>
// kernel: kernel.10.cloned.1.call-start
scs
__scs_entry_jumppad:
0x0: {  	(pc) =	sbr.rel $0x88, $3  }
0x1: {  	(tag) =	ssettag $0x0;
	lr =	simm.s32 $0x1  }
0x2: {  	[smem:$0x3F99] =	sst lr;
	_ =	strace $0xD0000000  }
0x3: {  	_ = 	snop  }
0x4: {  	_ = 	snop  }
0x5: {  	_ = 	snop  }
0x6: {  	_ = 	snop  }
0x7: {  	_ = 	snop  }
__scs_overlays_trampoline_lowered:
0x8: {  	[smem:$0x3FA8] =	sst s0  }
0x9: {  	[smem:$0x3FA9] =	sst s1  }
0xa: {  	[smem:$0x3FAA] =	sst s2  }
0xb: {  	[smem:$0x3FAB] =	sst s3  }
0xc: {  	[smem:$0x3FAC] =	sst s4  }
0xd: {  	[smem:$0x3FAD] =	sst s5  }
0xe: {  	[smem:$0x3FAE] =	sst s6  }
0xf: {  	[smem:$0x3FAF] =	sst s7  }
0x10: {  	[smem:$0x3FB0] =	sst s8  }
0x11: {  	[smem:$0x3FB1] =	sst s9;
	s0 =	simm.s32 @!p0 $0x0  }
0x12: {  	s1 =	sld [smem:$0x3F97];
	s0 =	simm.s32 @p0 $0x1  }
0x13: {  	[smem:$0x3FB2] =	sst s0;
	s0 =	simm.s32 @!p1 $0x0  }
0x14: {  	s2 =	sld [smem:$0x3F96];
	s0 =	simm.s32 @p1 $0x1  }
0x15: {  	[smem:$0x3FB3] =	sst s0;
	s0 =	simm.s32 @!p2 $0x0  }
0x16: {  	s3 =	sld [smem:$0x3FDB];
	s0 =	simm.s32 @p2 $0x1  }
0x17: {  	s4 =	simm.s32 $0x1BF5;
	[smem:$0x3FB5] =	sst s0  }
0x18: {  	s0 =	sld [smem:$0x3F98];
	_ =	swait.ge [sflag:s4], $0x0  }
0x19: {  	s7 =	sld [smem:$0x3F99]  }
0x1a: {  	s8 =	sadd.s32 $0xFFFFE003, lr  }
0x1b: {  	s9 =	sadd.s32 $0xFFFFFEF7, lr;
	s5 =	simm.s32 $0xFFFFFFFF;
	p2 =	slt.u32 s8, $0xFFFFF086  }
0x1c: {  	p1 =	slt.u32 s9, $0xF7A;
	s5 =	simm.s32 @!p2 $0x0  }
0x1d: {  	s5 =	simm.s32 @p1 $0x1;
	p0 =	seq.s32 s7, s2  }
0x1e: {  	s7 =	smul.u32 @!p0 $0xF7A, s2;
	p2 =	seq.s32 @!p0 s5, $0x0  }
0x1f: {  	s9 =	smul.u32 $0xF7A, s1;
	s8 =	simm.s32 @!p0 $0x1BF5;
	p2 =	por !p2, p0  }
0x20: {  	[sflag:s8] =	ssyncset.s32 @!p0 $0xFFFFF086;
	s6 =	sadd.s32 @!p0 s3, s7;
	s7 =	simm.s32 @!p0 $0x108  }
0x21: {  	s3 =	sadd.s32 s3, s9;
	s6 =	sadd.s32 @!p0 $0x88, s6;
	s7 =	simm.s32 @p2 $0x1082  }
0x22: {  	[simem:s7], [sflag:s8] =	dma.local @!p0 [hbm:s6], $0xF7A  }
0x23: {  	s9 =	sor.u32 $0xD0000000, s2;
	s6 =	simm.s32 $0x108;
	_ =	swait.ge @!p0 [sflag:s8], $0x0  }
0x24: {  	s3 =	sadd.s32 $0x88, s3;
	s6 =	simm.s32 @!p1 $0x1082;
	[sflag:s4] =	ssyncset.s32 $0xFFFFF086  }
0x25: {  	[simem:s6], [sflag:s4] =	dma.local [hbm:s3], $0xF7A  }
0x26: {  	[smem:$0x3F99] =	sst s1;
	(tag) =	ssettag s2;
	_ =	strace s9  }
0x27: {  	s1 =	sld [smem:$0x3FA9]  }
0x28: {  	s2 =	sld [smem:$0x3FAA]  }
0x29: {  	s4 =	sld [smem:$0x3FAC]  }
0x2a: {  	p0 =	seq.s32 s5, $0x0;
	s5 =	sld [smem:$0x3FAD]  }
0x2b: {  	s6 =	sld [smem:$0x3FAE]  }
0x2c: {  	s7 =	sld [smem:$0x3FAF]  }
0x2d: {  	s3 =	simm.s32 $0x108;
	s8 =	sld [smem:$0x3FB0]  }
0x2e: {  	s3 =	simm.s32 @!p0 $0x1082;
	s9 =	sld [smem:$0x3FB1]  }
0x2f: {  	lr =	sadd.s32 s0, s3;
	s0 =	sld [smem:$0x3FA8]  }
0x30: {  	s3 =	sld [smem:$0x3FAB]  }
0x31: {  	[smem:$0x3FB4] =	sst s10  }
0x32: {  	s10 =	sld [smem:$0x3FB2];
	_ =	sdelay $0x3  }
0x33: {  	p0 =	seq.s32 s10, $0x1;
	s10 =	sld [smem:$0x3FB4];
	_ =	sdelay $0x3  }
0x34: {  	[smem:$0x3FB4] =	sst s10  }
0x35: {  	s10 =	sld [smem:$0x3FB3];
	_ =	sdelay $0x3  }
0x36: {  	p1 =	seq.s32 s10, $0x1;
	s10 =	sld [smem:$0x3FB4];
	_ =	sdelay $0x3  }
0x37: {  	[smem:$0x3FB4] =	sst s10  }
0x38: {  	s10 =	sld [smem:$0x3FB5]  }
0x39: {  	_ = 	snop;
	(pc) =	sbr.ind lr, $3  }
0x3a: {  	_ = 	snop  }
0x3b: {  	_ = 	snop  }
0x3c: {  	p2 =	seq.s32 s10, $0x1;
	s10 =	sld [smem:$0x3FB4]  }
0x3d: {  	_ =	shalt  }
0x3e: {  	_ =	shalt  }
0x3f: {  	_ =	shalt  }
0x40: {  	_ =	shalt  }
0x41: {  	_ =	shalt  }
0x42: {  	_ =	shalt  }
0x43: {  	_ =	shalt  }
0x44: {  	_ =	shalt  }
0x45: {  	_ =	shalt  }
0x46: {  	_ =	shalt  }
0x47: {  	_ =	shalt  }
0x48: {  	_ =	shalt  }
0x49: {  	_ =	shalt  }
0x4a: {  	_ =	shalt  }
0x4b: {  	_ =	shalt  }
0x4c: {  	_ =	shalt  }
0x4d: {  	_ =	shalt  }
0x4e: {  	_ =	shalt  }
0x4f: {  	_ =	shalt  }
0x50: {  	_ =	shalt  }
0x51: {  	_ =	shalt  }
0x52: {  	_ =	shalt  }
0x53: {  	_ =	shalt  }
0x54: {  	_ =	shalt  }
0x55: {  	_ =	shalt  }
0x56: {  	_ =	shalt  }
0x57: {  	_ =	shalt  }
0x58: {  	_ =	shalt  }
0x59: {  	_ =	shalt  }
0x5a: {  	_ =	shalt  }
0x5b: {  	_ =	shalt  }
0x5c: {  	_ =	shalt  }
0x5d: {  	_ =	shalt  }
0x5e: {  	_ =	shalt  }
0x5f: {  	_ =	shalt  }
0x60: {  	_ =	shalt  }
0x61: {  	_ =	shalt  }
0x62: {  	_ =	shalt  }
0x63: {  	_ =	shalt  }
0x64: {  	_ =	shalt  }
0x65: {  	_ =	shalt  }
0x66: {  	_ =	shalt  }
0x67: {  	_ =	shalt  }
0x68: {  	_ =	shalt  }
0x69: {  	_ =	shalt  }
0x6a: {  	_ =	shalt  }
0x6b: {  	_ =	shalt  }
0x6c: {  	_ =	shalt  }
0x6d: {  	_ =	shalt  }
0x6e: {  	_ =	shalt  }
0x6f: {  	_ =	shalt  }
0x70: {  	_ =	shalt  }
0x71: {  	_ =	shalt  }
0x72: {  	_ =	shalt  }
0x73: {  	_ =	shalt  }
0x74: {  	_ =	shalt  }
0x75: {  	_ =	shalt  }
0x76: {  	_ =	shalt  }
0x77: {  	_ =	shalt  }
0x78: {  	_ =	shalt  }
0x79: {  	_ =	shalt  }
0x7a: {  	_ =	shalt  }
0x7b: {  	_ =	shalt  }
0x7c: {  	_ =	shalt  }
0x7d: {  	_ =	shalt  }
0x7e: {  	_ =	shalt  }
0x7f: {  	_ =	shalt  }
0x80: {  	_ =	shalt  }
0x81: {  	_ =	shalt  }
0x82: {  	_ =	shalt  }
0x83: {  	_ =	shalt  }
0x84: {  	_ =	shalt  }
0x85: {  	_ =	shalt  }
0x86: {  	_ =	shalt  }
0x87: {  	_ =	shalt  }
.Lfunc_end0:
.L_simem_size_0:
called_computation_lowered:
.L_overlay_start_0:
0x88: {  	s2 =	sld [smem:$0x3FD9]  }
0x89: {  	s3 =	sld [smem:$0x3FFE];
	_ =	sdelay $0x1  }
0x8a: {  	s1 =	srdreg.scid  }
0x8b: {  	s0 =	sand.u32 $0x1, s1  }
0x8c: {  	s17 =	sshll.u32 s0, $0xA;
	s2 =	sadd.s32 s3, s2  }
0x8d: {  	s2 =	sadd.s32 s2, s17  }
0x8e: {  	[smem:$0x3FC0] =	sst s2  }
0x8f: {  	_ = 	snop  }
0x90: {  	s2 =	sld [smem:$0x3FD0];
	(tm) =	ssettm $0x1  }
0x91: {  	s18 =	sld [smem:$0x3FFB];
	_ =	sdelay $0x3  }
0x92: {  	_ =	strace s18  }
0x93: {  	s3 =	sld [smem:$0x3FFC];
	_ =	sdelay $0x3  }
0x94: {  	_ =	strace s3  }
0x95: {  	s3 =	sld [smem:$0x3FFD];
	_ =	sdelay $0x3  }
0x96: {  	_ =	strace s3  }
0x97: {  	_ =	strace $0x8FFFFFFF  }
0x98: {  	s19 =	sld [smem:$0x3FDB];
	_ =	sdelay $0x1  }
0x99: {  	s4 =	simm.s32 $_scs_section_size  }
0x9a: {  	s5 =	simm.s32 $_size__tile_overlayer_lowered;
	s6 =	simm.s32 $_tile_overlayer_lowered  }
0x9b: {  	s22 =	simm.s32 $0x1BFF;
	s21 =	sshll.u32 s6, $0x1;
	s3 =	sadd.s32 s4, s19  }
0x9c: {  	s7 =	simm.s32 $0x0;
	s20 =	sshll.u32 s5, $0x1;
	s5 =	sadd.s32 s21, s3  }
0x9d: {  	[timem:s7], [sflag:s22] =	dma.local [hbm:s5], s20  }
0x9e: {  	_ =	swait.ge [sflag:s22], s20  }
0x9f: {  	s4 =	ssub.s32 $0x0, s20;
	[sflag:s22] =	ssyncset.done $0x0  }
0xa0: {  	[sflag:s22] =	ssyncadd.s32 s4;
	_ =	sdelay $0x1  }
0xa1: {  	s23 =	simm.s32 $0x1B8B  }
0xa2: {  	_ =	swait.ge [sflag:s23], $0x1  }
0xa3: {  	[sflag:s23] =	ssyncset.done $0x0  }
0xa4: {  	s25 =	simm.s32 $0x1B8E;
	s24 =	sld [smem:$0x3FFE];
	[sflag:s23] =	ssyncadd.s32 $0xFFFFFFFF  }
0xa5: {  	s26 =	simm.s32 $execute0_lowered;
	[smem:$0x3FD2] =	sst s25  }
0xa6: {  	s5 =	sshll.u32 s26, $0x1;
	_ =	strace $0x80000046;
	[dreg:$0x1] =	wrdreg $0xFFFFFFFF  }
0xa7: {  	s28 =	simm.s32 $_size_execute0_lowered;
	s3 =	sadd.s32 s3, s5;
	[dreg:$0x0] =	wrdreg $0x0  }
0xa8: {  	s5 =	sshll.u32 s28, $0x1;
	[dreg:$0x2] =	wrdreg s3  }
0xa9: {  	[dreg:$0x3] =	wrdreg s5  }
0xaa: {  	[dreg:$0x4] =	wrdreg $0xC0  }
0xab: {  	_ =	task [dreg:s7], $0x5FFFF  }
0xac: {  	[dreg:$0x1] =	wrdreg $0xFFFFFFFF  }
0xad: {  	[dreg:$0x0] =	wrdreg $0x60  }
0xae: {  	[dreg:$0x2] =	wrdreg s24  }
0xaf: {  	[dreg:$0x3] =	wrdreg s2  }
0xb0: {  	[dreg:$0x4] =	wrdreg $0x168000  }
0xb1: {  	[dreg:$0x5] =	wrdreg $0x9  }
0xb2: {  	_ =	task.clear_ibuf [dreg:s7], $0x6FFFF;
	_ =	strace $0x90000046  }
0xb3: {  	s29 =	simm.s32 $0x9;
	_ =	strace $0x80000048  }
0xb4: {  	_ =	swait.ge [sflag:s29], $0x1  }
0xb5: {  	[sflag:s29] =	ssyncadd.s32 $0xFFFFFFFF  }
0xb6: {  	_ =	strace $0x90000048  }
0xb7: {  	_ =	sfence  }
0xb8: {  	s30 =	sld [smem:$0x0];
	_ =	sdelay $0x2  }
0xb9: {  	s31 =	sshll.u32 s1, $0xD;
	s1 =	sshrl.u32 s1, $0x2  }
0xba: {  	s3 =	sand.u32 $0x4000, s31;
	s1 =	sadd.s32 s1, s30  }
0xbb: {  	s0 =	sor.u32 s3, s0;
	s1 =	sshll.u32 s1, $0x11  }
0xbc: {  	s0 =	sor.u32 s1, s0  }
0xbd: {  	s0 =	sadd.s32 $0x8F2B, s0  }
0xbe: {  	[sflag:s0] =	ssyncadd.remote.s32 $0x1  }
0xbf: {  	_ =	sfence.sel $0xFFFF  }
0xc0: {  	[dreg:$0x0] =	wrdreg $0xFFFFFFFF;
	(pc) =	sbr.abs _section_cstart, $3  }
0xc1: {  	[dreg:$0x1] =	wrdreg $0xFFFFFFFF  }
0xc2: {  	_ =	task.clear_ibuf [dreg:s7], $0x2FFFF;
	_ =	strace $0x9FFFFFFF  }
0xc3: {  	(tm) =	ssettm $0x7FFFFFFF  }
tec
execute0_lowered:
.L_overlay_start_1:
0x0: {  	(tag) =	ssettag $0x1  }
0x1: {  	s12 =	rddreg [dreg:$0x0]  }
0x2: {  	s0 =	stileid.u32;
	s1 =	srdreg.scid  }
0x3: {  	s4 =	rddreg [dreg:$0x1];
	s13 =	sand.u32 $0x1, s1;
	s29 =	sshll.u32 s0, $0x1  }
0x4: {  	s2 =	rddreg [dreg:$0x2];
	s5 =	sor.u32 s13, s29  }
0x5: {  	s3 =	simm.s32 $0x0;
	s1 =	rddreg [dreg:$0x3];
	s5 =	smul.u32 $0x500, s5  }
0x6: {  	[smem:$0x7FF] =	sst s3  }
0x7: {  	_ =	strace $0x80000047;
	s5 =	sadd.s32 s4, s5;
	s4 =	simm.s32 $0x1  }
0x8: {  	[tilespmem:s3], [sflag:$0x1] =	stream.linear.gather [hbm4b:s5+s3], $0x2800, $0x38;
	[tilespmem:$0x19000] =	vst v63  }
0x9: {  	_ =	swait.ge [sflag:s4], $0x2800  }
0xa: {  	s7 =	simm.s32 $0x2800;
	s8 =	smul.u32 $0x2800, s0;
	[sflag:s4] =	ssyncset.done $0x0  }
0xb: {  	s6 =	sadd.s32 $0x1E00, s12;
	s30 =	sshll.u32 s0, $0x6;
	[sflag:s4] =	ssyncadd.s32 $0xFFFFD800  }
0xc: {  	[tilespmem:s7], [sflag:$0x1] =	stream.linear.gather [hbm4b:s6+s3], $0x14000, $0x38;
	[tilespmem:$0x19000] =	vst v63  }
0xd: {  	s14 =	sshrl.u32 s8, $0x3;
	s10 =	sadd.s32 s8, s2;
	_ =	swait.ge [sflag:s4], $0x14000  }
0xe: {  	s9 =	sadd.s32 s14, s12;
	s10 =	sshrl.u32 s10, $0x3;
	[sflag:s4] =	ssyncset.done $0x0  }
0xf: {  	s8 =	sadd.s32 $0x4600, s9;
	s9 =	sor.u32 $0x1C01, s30;
	[sflag:s4] =	ssyncadd.s32 $0xFFFEC000  }
0x10: {  	[spmem:s10], [sflag:s9] =	dma.local [hbm:s8], $0x500  }
0x11: {  	_ =	swait.ge [sflag:s4], $0x500  }
0x12: {  	[sflag:s4] =	ssyncset.done $0x0  }
0x13: {  	[sflag:s4] =	ssyncadd.s32 $0xFFFFFB00  }
0x14: {  	s11 =	simm.s32 $0x1400;
	[bflag:$0x0] =	sbarrier.arrive $0xFFFF  }
0x15: {  	[spmem:s2] =	stream.indirect.scatter.add.f32 [tilespmem:s7], [sflag:$0x1], $0x10, s3, s11, $0xb8;
	[tilespmem:$0x19000] =	vst v63  }
0x16: {  	s15 =	smul.u32 $0x5000, s13;
	s13 =	ssub.s32 $0x2, s13;
	_ =	swait.ge [sflag:s4], $0x14000  }
0x17: {  	s31 =	sshrl.u32 s13, $0x1;
	[sflag:s4] =	ssyncset.done $0x0  }
0x18: {  	s13 =	ssub.s32 s13, s31;
	[sflag:s4] =	ssyncadd.s32 $0xFFFEC000  }
0x19: {  	[spmem:s2] =	stream.indirect.scatter.add.f32 [tilespmem:s7], [sflag:$0x1], $0x10, s11, s11, $0xb8;
	[tilespmem:$0x19000] =	vst v63  }
0x1a: {  	s13 =	smax.u32 s13, $0x1;
	_ =	swait.ge [sflag:s4], $0x14000  }
0x1b: {  	s12 =	sadd.s32 s15, s12;
	p0 =	sne.s32 s13, $0x1;
	[sflag:s4] =	ssyncset.done $0x0  }
.Ltmp0:
0x1c: {  	s12 =	sadd.s32 $0x9600, s12;
	[sflag:s4] =	ssyncadd.s32 $0xFFFEC000;
	(pc) =	sbr.rel @!p0 .LBB2_2-.Ltmp0, $4  }
0x1d: {  	s12 =	sadd.s32 s14, s12;
	[bflag:$0x0] =	sbarrier.arrive $0xFFFF  }
0x1e: {  	[hbm:s12], [sflag:s9] =	dma.local [spmem:s10], $0x500  }
0x1f: {  	_ =	swait.ge [sflag:s4], $0x500  }
0x20: {  	s13 =	sadd.s32 $0xFFFFFFFF, s13;
	[sflag:s4] =	ssyncset.done $0x0  }
.LBB2_1:
0x21: {  	p0 =	sne.s32 s13, $0x1;
	s13 =	sadd.s32 $0xFFFFFFFF, s13;
	[sflag:s4] =	ssyncadd.s32 $0xFFFFFB00  }
0x22: {  	[tilespmem:s3], [sflag:$0x1] =	stream.linear.gather [hbm4b:s5+s3], $0x2800, $0x38;
	[tilespmem:$0x19000] =	vst v63  }
0x23: {  	_ =	swait.ge [sflag:s4], $0x2800  }
0x24: {  	[sflag:s4] =	ssyncset.done $0x0  }
0x25: {  	[sflag:s4] =	ssyncadd.s32 $0xFFFFD800  }
0x26: {  	[tilespmem:s7], [sflag:$0x1] =	stream.linear.gather [hbm4b:s6+s3], $0x14000, $0x38;
	[tilespmem:$0x19000] =	vst v63  }
0x27: {  	_ =	swait.ge [sflag:s4], $0x14000  }
0x28: {  	[sflag:s4] =	ssyncset.done $0x0  }
0x29: {  	[sflag:s4] =	ssyncadd.s32 $0xFFFEC000  }
0x2a: {  	[spmem:s10], [sflag:s9] =	dma.local [hbm:s8], $0x500  }
0x2b: {  	_ =	swait.ge [sflag:s4], $0x500  }
0x2c: {  	[sflag:s4] =	ssyncset.done $0x0  }
0x2d: {  	[sflag:s4] =	ssyncadd.s32 $0xFFFFFB00  }
0x2e: {  	[bflag:$0x0] =	sbarrier.arrive $0xFFFF  }
0x2f: {  	[spmem:s2] =	stream.indirect.scatter.add.f32 [tilespmem:s7], [sflag:$0x1], $0x10, s3, s11, $0xb8;
	[tilespmem:$0x19000] =	vst v63  }
0x30: {  	_ =	swait.ge [sflag:s4], $0x14000  }
0x31: {  	[sflag:s4] =	ssyncset.done $0x0  }
0x32: {  	[sflag:s4] =	ssyncadd.s32 $0xFFFEC000  }
0x33: {  	[spmem:s2] =	stream.indirect.scatter.add.f32 [tilespmem:s7], [sflag:$0x1], $0x10, s11, s11, $0xb8;
	[tilespmem:$0x19000] =	vst v63  }
0x34: {  	_ =	swait.ge [sflag:s4], $0x14000  }
0x35: {  	[sflag:s4] =	ssyncset.done $0x0  }
.Ltmp1:
0x36: {  	[sflag:s4] =	ssyncadd.s32 $0xFFFEC000;
	(pc) =	sbr.rel @p0 .LBB2_1-.Ltmp1, $4  }
0x37: {  	[bflag:$0x0] =	sbarrier.arrive $0xFFFF  }
0x38: {  	[hbm:s12], [sflag:s9] =	dma.local [spmem:s10], $0x500  }
0x39: {  	_ =	swait.ge [sflag:s4], $0x500  }
0x3a: {  	[sflag:s4] =	ssyncset.done $0x0  }
.LBB2_2:
0x3b: {  	[sflag:s4] =	ssyncadd.s32 $0xFFFFFB00  }
0x3c: {  	_ =	sfence.sel $0x180000  }
0x3d: {  	[bflag:$0x0] =	sbarrier.arrive $0xFFFF  }
0x3e: {  	p0 =	sne.s32 s0, $0x0;
	_ =	strace $0x90000047  }
0x3f: {  	s0 =	sadd.s32 @!p0 $0x100000, s1;
	[bflag:$0x2] =	sbarrier.arrive $0xFFFF  }
0x40: {  	[sflag:s0] =	ssyncadd.tile.s32 @!p0 $0x1;
	_ =	shalt  }
.Lfunc_end2:
_tile_overlayer_lowered:
.L_overlay_start_2:
0x41: {  	(tag) =	ssettag $0x2  }
0x42: {  	s0 =	rddreg [dreg:$0x0];
	s2 =	stileid.u32  }
0x43: {  	s1 =	rddreg [dreg:$0x1];
	p0 =	sne.s32 s2, $0x0  }
0x44: {  	s3 =	rddreg [dreg:$0x2];
	[bflag:$0x3] =	sbarrier.arrive $0xFFFF;
	s2 =	simm.s32 @!p0 $0x1C01  }
0x45: {  	[timem:s3], [sflag:s2] =	dma.local @!p0 [hbm:s0], s1  }
0x46: {  	s0 =	simm.s32 @!p0 $0x1  }
0x47: {  	_ =	swait.ge @!p0 [sflag:s0], s1  }
0x48: {  	s1 =	ssub.s32 @!p0 $0x0, s1;
	[sflag:s0] =	ssyncset.done @!p0 $0x0  }
0x49: {  	[sflag:s0] =	ssyncadd.s32 @!p0 s1  }
0x4a: {  	[bflag:$0x3] =	sbarrier.arrive $0xFFFF  }
0x4b: {  	_ =	shalt  }

// kernel: kernel.13.cloned.1.call-start
scs
__scs_entry_jumppad:
0x0: {  	(pc) =	sbr.rel $0x88, $3  }
0x1: {  	(tag) =	ssettag $0x0;
	lr =	simm.s32 $0x1  }
0x2: {  	[smem:$0x3F99] =	sst lr;
	_ =	strace $0xD0000000  }
0x3: {  	_ = 	snop  }
0x4: {  	_ = 	snop  }
0x5: {  	_ = 	snop  }
0x6: {  	_ = 	snop  }
0x7: {  	_ = 	snop  }
__scs_overlays_trampoline_lowered:
0x8: {  	[smem:$0x3FA8] =	sst s0  }
0x9: {  	[smem:$0x3FA9] =	sst s1  }
0xa: {  	[smem:$0x3FAA] =	sst s2  }
0xb: {  	[smem:$0x3FAB] =	sst s3  }
0xc: {  	[smem:$0x3FAC] =	sst s4  }
0xd: {  	[smem:$0x3FAD] =	sst s5  }
0xe: {  	[smem:$0x3FAE] =	sst s6  }
0xf: {  	[smem:$0x3FAF] =	sst s7  }
0x10: {  	[smem:$0x3FB0] =	sst s8  }
0x11: {  	[smem:$0x3FB1] =	sst s9;
	s0 =	simm.s32 @!p0 $0x0  }
0x12: {  	s1 =	sld [smem:$0x3F97];
	s0 =	simm.s32 @p0 $0x1  }
0x13: {  	[smem:$0x3FB2] =	sst s0;
	s0 =	simm.s32 @!p1 $0x0  }
0x14: {  	s2 =	sld [smem:$0x3F96];
	s0 =	simm.s32 @p1 $0x1  }
0x15: {  	[smem:$0x3FB3] =	sst s0;
	s0 =	simm.s32 @!p2 $0x0  }
0x16: {  	s3 =	sld [smem:$0x3FDB];
	s0 =	simm.s32 @p2 $0x1  }
0x17: {  	s4 =	simm.s32 $0x1BF5;
	[smem:$0x3FB5] =	sst s0  }
0x18: {  	s0 =	sld [smem:$0x3F98];
	_ =	swait.ge [sflag:s4], $0x0  }
0x19: {  	s7 =	sld [smem:$0x3F99]  }
0x1a: {  	s8 =	sadd.s32 $0xFFFFE003, lr  }
0x1b: {  	s9 =	sadd.s32 $0xFFFFFEF7, lr;
	s5 =	simm.s32 $0xFFFFFFFF;
	p2 =	slt.u32 s8, $0xFFFFF086  }
0x1c: {  	p1 =	slt.u32 s9, $0xF7A;
	s5 =	simm.s32 @!p2 $0x0  }
0x1d: {  	s5 =	simm.s32 @p1 $0x1;
	p0 =	seq.s32 s7, s2  }
0x1e: {  	s7 =	smul.u32 @!p0 $0xF7A, s2;
	p2 =	seq.s32 @!p0 s5, $0x0  }
0x1f: {  	s9 =	smul.u32 $0xF7A, s1;
	s8 =	simm.s32 @!p0 $0x1BF5;
	p2 =	por !p2, p0  }
0x20: {  	[sflag:s8] =	ssyncset.s32 @!p0 $0xFFFFF086;
	s6 =	sadd.s32 @!p0 s3, s7;
	s7 =	simm.s32 @!p0 $0x108  }
0x21: {  	s3 =	sadd.s32 s3, s9;
	s6 =	sadd.s32 @!p0 $0x88, s6;
	s7 =	simm.s32 @p2 $0x1082  }
0x22: {  	[simem:s7], [sflag:s8] =	dma.local @!p0 [hbm:s6], $0xF7A  }
0x23: {  	s9 =	sor.u32 $0xD0000000, s2;
	s6 =	simm.s32 $0x108;
	_ =	swait.ge @!p0 [sflag:s8], $0x0  }
0x24: {  	s3 =	sadd.s32 $0x88, s3;
	s6 =	simm.s32 @!p1 $0x1082;
	[sflag:s4] =	ssyncset.s32 $0xFFFFF086  }
0x25: {  	[simem:s6], [sflag:s4] =	dma.local [hbm:s3], $0xF7A  }
0x26: {  	[smem:$0x3F99] =	sst s1;
	(tag) =	ssettag s2;
	_ =	strace s9  }
0x27: {  	s1 =	sld [smem:$0x3FA9]  }
0x28: {  	s2 =	sld [smem:$0x3FAA]  }
0x29: {  	s4 =	sld [smem:$0x3FAC]  }
0x2a: {  	p0 =	seq.s32 s5, $0x0;
	s5 =	sld [smem:$0x3FAD]  }
0x2b: {  	s6 =	sld [smem:$0x3FAE]  }
0x2c: {  	s7 =	sld [smem:$0x3FAF]  }
0x2d: {  	s3 =	simm.s32 $0x108;
	s8 =	sld [smem:$0x3FB0]  }
0x2e: {  	s3 =	simm.s32 @!p0 $0x1082;
	s9 =	sld [smem:$0x3FB1]  }
0x2f: {  	lr =	sadd.s32 s0, s3;
	s0 =	sld [smem:$0x3FA8]  }
0x30: {  	s3 =	sld [smem:$0x3FAB]  }
0x31: {  	[smem:$0x3FB4] =	sst s10  }
0x32: {  	s10 =	sld [smem:$0x3FB2];
	_ =	sdelay $0x3  }
0x33: {  	p0 =	seq.s32 s10, $0x1;
	s10 =	sld [smem:$0x3FB4];
	_ =	sdelay $0x3  }
0x34: {  	[smem:$0x3FB4] =	sst s10  }
0x35: {  	s10 =	sld [smem:$0x3FB3];
	_ =	sdelay $0x3  }
0x36: {  	p1 =	seq.s32 s10, $0x1;
	s10 =	sld [smem:$0x3FB4];
	_ =	sdelay $0x3  }
0x37: {  	[smem:$0x3FB4] =	sst s10  }
0x38: {  	s10 =	sld [smem:$0x3FB5]  }
0x39: {  	_ = 	snop;
	(pc) =	sbr.ind lr, $3  }
0x3a: {  	_ = 	snop  }
0x3b: {  	_ = 	snop  }
0x3c: {  	p2 =	seq.s32 s10, $0x1;
	s10 =	sld [smem:$0x3FB4]  }
0x3d: {  	_ =	shalt  }
0x3e: {  	_ =	shalt  }
0x3f: {  	_ =	shalt  }
0x40: {  	_ =	shalt  }
0x41: {  	_ =	shalt  }
0x42: {  	_ =	shalt  }
0x43: {  	_ =	shalt  }
0x44: {  	_ =	shalt  }
0x45: {  	_ =	shalt  }
0x46: {  	_ =	shalt  }
0x47: {  	_ =	shalt  }
0x48: {  	_ =	shalt  }
0x49: {  	_ =	shalt  }
0x4a: {  	_ =	shalt  }
0x4b: {  	_ =	shalt  }
0x4c: {  	_ =	shalt  }
0x4d: {  	_ =	shalt  }
0x4e: {  	_ =	shalt  }
0x4f: {  	_ =	shalt  }
0x50: {  	_ =	shalt  }
0x51: {  	_ =	shalt  }
0x52: {  	_ =	shalt  }
0x53: {  	_ =	shalt  }
0x54: {  	_ =	shalt  }
0x55: {  	_ =	shalt  }
0x56: {  	_ =	shalt  }
0x57: {  	_ =	shalt  }
0x58: {  	_ =	shalt  }
0x59: {  	_ =	shalt  }
0x5a: {  	_ =	shalt  }
0x5b: {  	_ =	shalt  }
0x5c: {  	_ =	shalt  }
0x5d: {  	_ =	shalt  }
0x5e: {  	_ =	shalt  }
0x5f: {  	_ =	shalt  }
0x60: {  	_ =	shalt  }
0x61: {  	_ =	shalt  }
0x62: {  	_ =	shalt  }
0x63: {  	_ =	shalt  }
0x64: {  	_ =	shalt  }
0x65: {  	_ =	shalt  }
0x66: {  	_ =	shalt  }
0x67: {  	_ =	shalt  }
0x68: {  	_ =	shalt  }
0x69: {  	_ =	shalt  }
0x6a: {  	_ =	shalt  }
0x6b: {  	_ =	shalt  }
0x6c: {  	_ =	shalt  }
0x6d: {  	_ =	shalt  }
0x6e: {  	_ =	shalt  }
0x6f: {  	_ =	shalt  }
0x70: {  	_ =	shalt  }
0x71: {  	_ =	shalt  }
0x72: {  	_ =	shalt  }
0x73: {  	_ =	shalt  }
0x74: {  	_ =	shalt  }
0x75: {  	_ =	shalt  }
0x76: {  	_ =	shalt  }
0x77: {  	_ =	shalt  }
0x78: {  	_ =	shalt  }
0x79: {  	_ =	shalt  }
0x7a: {  	_ =	shalt  }
0x7b: {  	_ =	shalt  }
0x7c: {  	_ =	shalt  }
0x7d: {  	_ =	shalt  }
0x7e: {  	_ =	shalt  }
0x7f: {  	_ =	shalt  }
0x80: {  	_ =	shalt  }
0x81: {  	_ =	shalt  }
0x82: {  	_ =	shalt  }
0x83: {  	_ =	shalt  }
0x84: {  	_ =	shalt  }
0x85: {  	_ =	shalt  }
0x86: {  	_ =	shalt  }
0x87: {  	_ =	shalt  }
.Lfunc_end0:
.L_simem_size_0:
called_computation.1_lowered:
.L_overlay_start_0:
0x88: {  	s2 =	sld [smem:$0x3FD9]  }
0x89: {  	s3 =	sld [smem:$0x3FFE];
	_ =	sdelay $0x1  }
0x8a: {  	s1 =	srdreg.scid  }
0x8b: {  	s0 =	sand.u32 $0x1, s1  }
0x8c: {  	s17 =	sshll.u32 s0, $0xA;
	s2 =	sadd.s32 s3, s2  }
0x8d: {  	s2 =	sadd.s32 s2, s17  }
0x8e: {  	[smem:$0x3FC0] =	sst s2  }
0x8f: {  	_ = 	snop  }
0x90: {  	s2 =	sld [smem:$0x3FD0];
	(tm) =	ssettm $0x1  }
0x91: {  	s18 =	sld [smem:$0x3FFB];
	_ =	sdelay $0x3  }
0x92: {  	_ =	strace s18  }
0x93: {  	s3 =	sld [smem:$0x3FFC];
	_ =	sdelay $0x3  }
0x94: {  	_ =	strace s3  }
0x95: {  	s3 =	sld [smem:$0x3FFD];
	_ =	sdelay $0x3  }
0x96: {  	_ =	strace s3  }
0x97: {  	_ =	strace $0x8FFFFFFF  }
0x98: {  	s19 =	sld [smem:$0x3FDB];
	_ =	sdelay $0x1  }
0x99: {  	s4 =	simm.s32 $_scs_section_size  }
0x9a: {  	s5 =	simm.s32 $_size__tile_overlayer_lowered;
	s6 =	simm.s32 $_tile_overlayer_lowered  }
0x9b: {  	s22 =	simm.s32 $0x1BFF;
	s21 =	sshll.u32 s6, $0x1;
	s3 =	sadd.s32 s4, s19  }
0x9c: {  	s7 =	simm.s32 $0x0;
	s20 =	sshll.u32 s5, $0x1;
	s5 =	sadd.s32 s21, s3  }
0x9d: {  	[timem:s7], [sflag:s22] =	dma.local [hbm:s5], s20  }
0x9e: {  	_ =	swait.ge [sflag:s22], s20  }
0x9f: {  	s4 =	ssub.s32 $0x0, s20;
	[sflag:s22] =	ssyncset.done $0x0  }
0xa0: {  	[sflag:s22] =	ssyncadd.s32 s4;
	_ =	sdelay $0x1  }
0xa1: {  	s23 =	simm.s32 $0x1B8B  }
0xa2: {  	_ =	swait.ge [sflag:s23], $0x1  }
0xa3: {  	[sflag:s23] =	ssyncset.done $0x0  }
0xa4: {  	s25 =	simm.s32 $0x1B8E;
	s24 =	sld [smem:$0x3FFE];
	[sflag:s23] =	ssyncadd.s32 $0xFFFFFFFF  }
0xa5: {  	s26 =	simm.s32 $execute0_lowered;
	[smem:$0x3FD2] =	sst s25  }
0xa6: {  	s5 =	sshll.u32 s26, $0x1;
	_ =	strace $0x80000049;
	[dreg:$0x1] =	wrdreg $0xFFFFFFFF  }
0xa7: {  	s28 =	simm.s32 $_size_execute0_lowered;
	s3 =	sadd.s32 s3, s5;
	[dreg:$0x0] =	wrdreg $0x0  }
0xa8: {  	s5 =	sshll.u32 s28, $0x1;
	[dreg:$0x2] =	wrdreg s3  }
0xa9: {  	[dreg:$0x3] =	wrdreg s5  }
0xaa: {  	[dreg:$0x4] =	wrdreg $0xC0  }
0xab: {  	_ =	task [dreg:s7], $0x5FFFF  }
0xac: {  	[dreg:$0x1] =	wrdreg $0xFFFFFFFF  }
0xad: {  	[dreg:$0x0] =	wrdreg $0x60  }
0xae: {  	[dreg:$0x2] =	wrdreg s24  }
0xaf: {  	[dreg:$0x3] =	wrdreg s2  }
0xb0: {  	[dreg:$0x4] =	wrdreg $0x190000  }
0xb1: {  	[dreg:$0x5] =	wrdreg $0x1B7100  }
0xb2: {  	[dreg:$0x6] =	wrdreg $0x9  }
0xb3: {  	_ =	task.clear_ibuf [dreg:s7], $0x7FFFF;
	_ =	strace $0x90000049  }
0xb4: {  	s29 =	simm.s32 $0x9;
	_ =	strace $0x8000004B  }
0xb5: {  	_ =	swait.ge [sflag:s29], $0x1  }
0xb6: {  	[sflag:s29] =	ssyncadd.s32 $0xFFFFFFFF  }
0xb7: {  	_ =	strace $0x9000004B  }
0xb8: {  	_ =	sfence  }
0xb9: {  	s30 =	sld [smem:$0x0];
	_ =	sdelay $0x2  }
0xba: {  	s31 =	sshll.u32 s1, $0xD;
	s1 =	sshrl.u32 s1, $0x2  }
0xbb: {  	s3 =	sand.u32 $0x4000, s31;
	s1 =	sadd.s32 s1, s30  }
0xbc: {  	s0 =	sor.u32 s3, s0;
	s1 =	sshll.u32 s1, $0x11  }
0xbd: {  	s0 =	sor.u32 s1, s0  }
0xbe: {  	s0 =	sadd.s32 $0x8F2B, s0  }
0xbf: {  	[sflag:s0] =	ssyncadd.remote.s32 $0x1  }
0xc0: {  	_ =	sfence.sel $0xFFFF  }
0xc1: {  	[dreg:$0x0] =	wrdreg $0xFFFFFFFF;
	(pc) =	sbr.abs _section_cstart, $3  }
0xc2: {  	[dreg:$0x1] =	wrdreg $0xFFFFFFFF  }
0xc3: {  	_ =	task.clear_ibuf [dreg:s7], $0x2FFFF;
	_ =	strace $0x9FFFFFFF  }
0xc4: {  	(tm) =	ssettm $0x7FFFFFFF  }
0xc5: {  	_ =	shalt  }
tec
execute0_lowered:
.L_overlay_start_1:
0x0: {  	(tag) =	ssettag $0x1  }
0x1: {  	s17 =	rddreg [dreg:$0x0]  }
0x2: {  	s0 =	stileid.u32;
	s1 =	srdreg.scid  }
0x3: {  	s7 =	rddreg [dreg:$0x1];
	s18 =	sand.u32 $0x1, s1;
	s29 =	sshll.u32 s0, $0x1  }
0x4: {  	s2 =	rddreg [dreg:$0x2];
	s5 =	sor.u32 s18, s29  }
0x5: {  	s3 =	rddreg [dreg:$0x3];
	s8 =	smul.u32 $0x500, s5  }
0x6: {  	s4 =	simm.s32 $0x0;
	s1 =	rddreg [dreg:$0x4]  }
0x7: {  	[smem:$0x7FF] =	sst s4;
	s5 =	sadd.s32 s8, s17  }
0x8: {  	_ =	strace $0x8000004A;
	s6 =	sadd.s32 $0x13600, s5;
	s5 =	simm.s32 $0x1  }
0x9: {  	[tilespmem:s4], [sflag:$0x1] =	stream.linear.gather [hbm4b:s6+s4], $0x2800, $0x38;
	[tilespmem:$0x1DF10] =	vst v63  }
0xa: {  	s9 =	smul.u32 $0x2710, s0;
	_ =	swait.ge [sflag:s5], $0x2800  }
0xb: {  	s12 =	smul.u32 $0x2800, s0;
	s30 =	sshll.u32 s0, $0x6;
	[sflag:s5] =	ssyncset.done $0x0  }
0xc: {  	s7 =	sadd.s32 s7, s8;
	s8 =	simm.s32 $0x2800;
	[sflag:s5] =	ssyncadd.s32 $0xFFFFD800  }
0xd: {  	[tilespmem:s8], [sflag:$0x1] =	stream.linear.gather [hbm4b:s7+s4], $0x2800, $0x38;
	[tilespmem:$0x1DF10] =	vst v63  }
0xe: {  	s10 =	sshrl.u32 s9, $0x3;
	s11 =	sadd.s32 s9, s2;
	_ =	swait.ge [sflag:s5], $0x2800  }
0xf: {  	s10 =	sadd.s32 s10, s17;
	s11 =	sshrl.u32 s11, $0x3;
	[sflag:s5] =	ssyncset.done $0x0  }
0x10: {  	s9 =	sadd.s32 $0x9600, s10;
	s10 =	sor.u32 $0x1C01, s30;
	[sflag:s5] =	ssyncadd.s32 $0xFFFFD800  }
0x11: {  	[spmem:s11], [sflag:s10] =	dma.local [hbm:s9], $0x4E2  }
0x12: {  	s19 =	sshrl.u32 s12, $0x3;
	_ =	swait.ge [sflag:s5], $0x4E2  }
0x13: {  	s14 =	sadd.s32 s12, s3;
	s13 =	sadd.s32 s19, s17;
	[sflag:s5] =	ssyncset.done $0x0  }
0x14: {  	s12 =	sadd.s32 $0x4600, s13;
	s13 =	sshrl.u32 s14, $0x3;
	[sflag:s5] =	ssyncadd.s32 $0xFFFFFB1E  }
0x15: {  	[spmem:s13], [sflag:s10] =	dma.local [hbm:s12], $0x500  }
0x16: {  	_ =	swait.ge [sflag:s5], $0x500  }
0x17: {  	[sflag:s5] =	ssyncset.done $0x0  }
0x18: {  	[sflag:s5] =	ssyncadd.s32 $0xFFFFFB00  }
0x19: {  	s15 =	simm.s32 $0x5000;
	s14 =	simm.s32 $0x1400;
	[bflag:$0x0] =	sbarrier.arrive $0xFFFF  }
0x1a: {  	[tilespmem:s15], [sflag:$0x1] =	stream.indirect.gather [spmem:s2], $0x10, s4, s14, $0xb8;
	[tilespmem:$0x1DF10] =	vst v63  }
0x1b: {  	_ =	swait.ge [sflag:s5], $0x14000  }
0x1c: {  	[sflag:s5] =	ssyncset.done $0x0  }
0x1d: {  	[sflag:s5] =	ssyncadd.s32 $0xFFFEC000  }
0x1e: {  	[spmem:s3] =	stream.indirect.scatter.add.f32 [tilespmem:s15], [sflag:$0x1], $0x10, s8, s14, $0xb8;
	[tilespmem:$0x1DF10] =	vst v63  }
0x1f: {  	_ =	swait.ge [sflag:s5], $0x14000  }
0x20: {  	[sflag:s5] =	ssyncset.done $0x0  }
0x21: {  	[sflag:s5] =	ssyncadd.s32 $0xFFFEC000  }
0x22: {  	[tilespmem:s15], [sflag:$0x1] =	stream.indirect.gather [spmem:s2], $0x10, s14, s14, $0xb8;
	[tilespmem:$0x1DF10] =	vst v63  }
0x23: {  	s20 =	smul.u32 $0x5000, s18;
	s18 =	ssub.s32 $0x2, s18;
	_ =	swait.ge [sflag:s5], $0x14000  }
0x24: {  	s31 =	sshrl.u32 s18, $0x1;
	[sflag:s5] =	ssyncset.done $0x0  }
0x25: {  	s16 =	simm.s32 $0x3C00;
	s18 =	ssub.s32 s18, s31;
	[sflag:s5] =	ssyncadd.s32 $0xFFFEC000  }
0x26: {  	[spmem:s3] =	stream.indirect.scatter.add.f32 [tilespmem:s15], [sflag:$0x1], $0x10, s16, s14, $0xb8;
	[tilespmem:$0x1DF10] =	vst v63  }
0x27: {  	s18 =	smax.u32 s18, $0x1;
	_ =	swait.ge [sflag:s5], $0x14000  }
0x28: {  	s17 =	sadd.s32 s20, s17;
	p0 =	sne.s32 s18, $0x1;
	[sflag:s5] =	ssyncset.done $0x0  }
.Ltmp0:
0x29: {  	s17 =	sadd.s32 $0x1D600, s17;
	[sflag:s5] =	ssyncadd.s32 $0xFFFEC000;
	(pc) =	sbr.rel @!p0 .LBB2_2-.Ltmp0, $4  }
0x2a: {  	s17 =	sadd.s32 s19, s17;
	[bflag:$0x0] =	sbarrier.arrive $0xFFFF  }
0x2b: {  	[hbm:s17], [sflag:s10] =	dma.local [spmem:s13], $0x500  }
0x2c: {  	_ =	swait.ge [sflag:s5], $0x500  }
0x2d: {  	s18 =	sadd.s32 $0xFFFFFFFF, s18;
	[sflag:s5] =	ssyncset.done $0x0  }
.LBB2_1:
0x2e: {  	p0 =	sne.s32 s18, $0x1;
	s18 =	sadd.s32 $0xFFFFFFFF, s18;
	[sflag:s5] =	ssyncadd.s32 $0xFFFFFB00  }
0x2f: {  	[tilespmem:s4], [sflag:$0x1] =	stream.linear.gather [hbm4b:s6+s4], $0x2800, $0x38;
	[tilespmem:$0x1DF10] =	vst v63  }
0x30: {  	_ =	swait.ge [sflag:s5], $0x2800  }
0x31: {  	[sflag:s5] =	ssyncset.done $0x0  }
0x32: {  	[sflag:s5] =	ssyncadd.s32 $0xFFFFD800  }
0x33: {  	[tilespmem:s8], [sflag:$0x1] =	stream.linear.gather [hbm4b:s7+s4], $0x2800, $0x38;
	[tilespmem:$0x1DF10] =	vst v63  }
0x34: {  	_ =	swait.ge [sflag:s5], $0x2800  }
0x35: {  	[sflag:s5] =	ssyncset.done $0x0  }
0x36: {  	[sflag:s5] =	ssyncadd.s32 $0xFFFFD800  }
0x37: {  	[spmem:s11], [sflag:s10] =	dma.local [hbm:s9], $0x4E2  }
0x38: {  	_ =	swait.ge [sflag:s5], $0x4E2  }
0x39: {  	[sflag:s5] =	ssyncset.done $0x0  }
0x3a: {  	[sflag:s5] =	ssyncadd.s32 $0xFFFFFB1E  }
0x3b: {  	[spmem:s13], [sflag:s10] =	dma.local [hbm:s12], $0x500  }
0x3c: {  	_ =	swait.ge [sflag:s5], $0x500  }
0x3d: {  	[sflag:s5] =	ssyncset.done $0x0  }
0x3e: {  	[sflag:s5] =	ssyncadd.s32 $0xFFFFFB00  }
0x3f: {  	[bflag:$0x0] =	sbarrier.arrive $0xFFFF  }
0x40: {  	[tilespmem:s15], [sflag:$0x1] =	stream.indirect.gather [spmem:s2], $0x10, s4, s14, $0xb8;
	[tilespmem:$0x1DF10] =	vst v63  }
0x41: {  	_ =	swait.ge [sflag:s5], $0x14000  }
0x42: {  	[sflag:s5] =	ssyncset.done $0x0  }
0x43: {  	[sflag:s5] =	ssyncadd.s32 $0xFFFEC000  }
0x44: {  	[spmem:s3] =	stream.indirect.scatter.add.f32 [tilespmem:s15], [sflag:$0x1], $0x10, s8, s14, $0xb8;
	[tilespmem:$0x1DF10] =	vst v63  }
0x45: {  	_ =	swait.ge [sflag:s5], $0x14000  }
0x46: {  	[sflag:s5] =	ssyncset.done $0x0  }
0x47: {  	[sflag:s5] =	ssyncadd.s32 $0xFFFEC000  }
0x48: {  	[tilespmem:s15], [sflag:$0x1] =	stream.indirect.gather [spmem:s2], $0x10, s14, s14, $0xb8;
	[tilespmem:$0x1DF10] =	vst v63  }
0x49: {  	_ =	swait.ge [sflag:s5], $0x14000  }
0x4a: {  	[sflag:s5] =	ssyncset.done $0x0  }
0x4b: {  	[sflag:s5] =	ssyncadd.s32 $0xFFFEC000  }
0x4c: {  	[spmem:s3] =	stream.indirect.scatter.add.f32 [tilespmem:s15], [sflag:$0x1], $0x10, s16, s14, $0xb8;
	[tilespmem:$0x1DF10] =	vst v63  }
0x4d: {  	_ =	swait.ge [sflag:s5], $0x14000  }
0x4e: {  	[sflag:s5] =	ssyncset.done $0x0  }
.Ltmp1:
0x4f: {  	[sflag:s5] =	ssyncadd.s32 $0xFFFEC000;
	(pc) =	sbr.rel @p0 .LBB2_1-.Ltmp1, $4  }
0x50: {  	[bflag:$0x0] =	sbarrier.arrive $0xFFFF  }
0x51: {  	[hbm:s17], [sflag:s10] =	dma.local [spmem:s13], $0x500  }
0x52: {  	_ =	swait.ge [sflag:s5], $0x500  }
0x53: {  	[sflag:s5] =	ssyncset.done $0x0  }
.LBB2_2:
0x54: {  	[sflag:s5] =	ssyncadd.s32 $0xFFFFFB00  }
0x55: {  	_ =	sfence.sel $0x180000  }
0x56: {  	[bflag:$0x0] =	sbarrier.arrive $0xFFFF  }
0x57: {  	p0 =	sne.s32 s0, $0x0;
	_ =	strace $0x9000004A  }
0x58: {  	s0 =	sadd.s32 @!p0 $0x100000, s1;
	[bflag:$0x2] =	sbarrier.arrive $0xFFFF  }
0x59: {  	[sflag:s0] =	ssyncadd.tile.s32 @!p0 $0x1;
	_ =	shalt  }
.Lfunc_end2:
_tile_overlayer_lowered:
.L_overlay_start_2:
0x5a: {  	(tag) =	ssettag $0x2  }
0x5b: {  	s0 =	rddreg [dreg:$0x0];
	s2 =	stileid.u32  }
0x5c: {  	s1 =	rddreg [dreg:$0x1];
	p0 =	sne.s32 s2, $0x0  }
0x5d: {  	s3 =	rddreg [dreg:$0x2];
	[bflag:$0x3] =	sbarrier.arrive $0xFFFF;
	s2 =	simm.s32 @!p0 $0x1C01  }
0x5e: {  	[timem:s3], [sflag:s2] =	dma.local @!p0 [hbm:s0], s1  }
0x5f: {  	s0 =	simm.s32 @!p0 $0x1  }
0x60: {  	_ =	swait.ge @!p0 [sflag:s0], s1  }
0x61: {  	s1 =	ssub.s32 @!p0 $0x0, s1;
	[sflag:s0] =	ssyncset.done @!p0 $0x0  }
0x62: {  	[sflag:s0] =	ssyncadd.s32 @!p0 s1  }
0x63: {  	[bflag:$0x3] =	sbarrier.arrive $0xFFFF  }
0x64: {  	_ =	shalt  }

// kernel: kernel.16.cloned.1.call-start
scs
__scs_entry_jumppad:
0x0: {  	(pc) =	sbr.rel $0x88, $3  }
0x1: {  	(tag) =	ssettag $0x0;
	lr =	simm.s32 $0x1  }
0x2: {  	[smem:$0x3F99] =	sst lr;
	_ =	strace $0xD0000000  }
0x3: {  	_ = 	snop  }
0x4: {  	_ = 	snop  }
0x5: {  	_ = 	snop  }
0x6: {  	_ = 	snop  }
0x7: {  	_ = 	snop  }
__scs_overlays_trampoline_lowered:
0x8: {  	[smem:$0x3FA8] =	sst s0  }
0x9: {  	[smem:$0x3FA9] =	sst s1  }
0xa: {  	[smem:$0x3FAA] =	sst s2  }
0xb: {  	[smem:$0x3FAB] =	sst s3  }
0xc: {  	[smem:$0x3FAC] =	sst s4  }
0xd: {  	[smem:$0x3FAD] =	sst s5  }
0xe: {  	[smem:$0x3FAE] =	sst s6  }
0xf: {  	[smem:$0x3FAF] =	sst s7  }
0x10: {  	[smem:$0x3FB0] =	sst s8  }
0x11: {  	[smem:$0x3FB1] =	sst s9;
	s0 =	simm.s32 @!p0 $0x0  }
0x12: {  	s1 =	sld [smem:$0x3F97];
	s0 =	simm.s32 @p0 $0x1  }
0x13: {  	[smem:$0x3FB2] =	sst s0;
	s0 =	simm.s32 @!p1 $0x0  }
0x14: {  	s2 =	sld [smem:$0x3F96];
	s0 =	simm.s32 @p1 $0x1  }
0x15: {  	[smem:$0x3FB3] =	sst s0;
	s0 =	simm.s32 @!p2 $0x0  }
0x16: {  	s3 =	sld [smem:$0x3FDB];
	s0 =	simm.s32 @p2 $0x1  }
0x17: {  	s4 =	simm.s32 $0x1BF5;
	[smem:$0x3FB5] =	sst s0  }
0x18: {  	s0 =	sld [smem:$0x3F98];
	_ =	swait.ge [sflag:s4], $0x0  }
0x19: {  	s7 =	sld [smem:$0x3F99]  }
0x1a: {  	s8 =	sadd.s32 $0xFFFFE003, lr  }
0x1b: {  	s9 =	sadd.s32 $0xFFFFFEF7, lr;
	s5 =	simm.s32 $0xFFFFFFFF;
	p2 =	slt.u32 s8, $0xFFFFF086  }
0x1c: {  	p1 =	slt.u32 s9, $0xF7A;
	s5 =	simm.s32 @!p2 $0x0  }
0x1d: {  	s5 =	simm.s32 @p1 $0x1;
	p0 =	seq.s32 s7, s2  }
0x1e: {  	s7 =	smul.u32 @!p0 $0xF7A, s2;
	p2 =	seq.s32 @!p0 s5, $0x0  }
0x1f: {  	s9 =	smul.u32 $0xF7A, s1;
	s8 =	simm.s32 @!p0 $0x1BF5;
	p2 =	por !p2, p0  }
0x20: {  	[sflag:s8] =	ssyncset.s32 @!p0 $0xFFFFF086;
	s6 =	sadd.s32 @!p0 s3, s7;
	s7 =	simm.s32 @!p0 $0x108  }
0x21: {  	s3 =	sadd.s32 s3, s9;
	s6 =	sadd.s32 @!p0 $0x88, s6;
	s7 =	simm.s32 @p2 $0x1082  }
0x22: {  	[simem:s7], [sflag:s8] =	dma.local @!p0 [hbm:s6], $0xF7A  }
0x23: {  	s9 =	sor.u32 $0xD0000000, s2;
	s6 =	simm.s32 $0x108;
	_ =	swait.ge @!p0 [sflag:s8], $0x0  }
0x24: {  	s3 =	sadd.s32 $0x88, s3;
	s6 =	simm.s32 @!p1 $0x1082;
	[sflag:s4] =	ssyncset.s32 $0xFFFFF086  }
0x25: {  	[simem:s6], [sflag:s4] =	dma.local [hbm:s3], $0xF7A  }
0x26: {  	[smem:$0x3F99] =	sst s1;
	(tag) =	ssettag s2;
	_ =	strace s9  }
0x27: {  	s1 =	sld [smem:$0x3FA9]  }
0x28: {  	s2 =	sld [smem:$0x3FAA]  }
0x29: {  	s4 =	sld [smem:$0x3FAC]  }
0x2a: {  	p0 =	seq.s32 s5, $0x0;
	s5 =	sld [smem:$0x3FAD]  }
0x2b: {  	s6 =	sld [smem:$0x3FAE]  }
0x2c: {  	s7 =	sld [smem:$0x3FAF]  }
0x2d: {  	s3 =	simm.s32 $0x108;
	s8 =	sld [smem:$0x3FB0]  }
0x2e: {  	s3 =	simm.s32 @!p0 $0x1082;
	s9 =	sld [smem:$0x3FB1]  }
0x2f: {  	lr =	sadd.s32 s0, s3;
	s0 =	sld [smem:$0x3FA8]  }
0x30: {  	s3 =	sld [smem:$0x3FAB]  }
0x31: {  	[smem:$0x3FB4] =	sst s10  }
0x32: {  	s10 =	sld [smem:$0x3FB2];
	_ =	sdelay $0x3  }
0x33: {  	p0 =	seq.s32 s10, $0x1;
	s10 =	sld [smem:$0x3FB4];
	_ =	sdelay $0x3  }
0x34: {  	[smem:$0x3FB4] =	sst s10  }
0x35: {  	s10 =	sld [smem:$0x3FB3];
	_ =	sdelay $0x3  }
0x36: {  	p1 =	seq.s32 s10, $0x1;
	s10 =	sld [smem:$0x3FB4];
	_ =	sdelay $0x3  }
0x37: {  	[smem:$0x3FB4] =	sst s10  }
0x38: {  	s10 =	sld [smem:$0x3FB5]  }
0x39: {  	_ = 	snop;
	(pc) =	sbr.ind lr, $3  }
0x3a: {  	_ = 	snop  }
0x3b: {  	_ = 	snop  }
0x3c: {  	p2 =	seq.s32 s10, $0x1;
	s10 =	sld [smem:$0x3FB4]  }
0x3d: {  	_ =	shalt  }
0x3e: {  	_ =	shalt  }
0x3f: {  	_ =	shalt  }
0x40: {  	_ =	shalt  }
0x41: {  	_ =	shalt  }
0x42: {  	_ =	shalt  }
0x43: {  	_ =	shalt  }
0x44: {  	_ =	shalt  }
0x45: {  	_ =	shalt  }
0x46: {  	_ =	shalt  }
0x47: {  	_ =	shalt  }
0x48: {  	_ =	shalt  }
0x49: {  	_ =	shalt  }
0x4a: {  	_ =	shalt  }
0x4b: {  	_ =	shalt  }
0x4c: {  	_ =	shalt  }
0x4d: {  	_ =	shalt  }
0x4e: {  	_ =	shalt  }
0x4f: {  	_ =	shalt  }
0x50: {  	_ =	shalt  }
0x51: {  	_ =	shalt  }
0x52: {  	_ =	shalt  }
0x53: {  	_ =	shalt  }
0x54: {  	_ =	shalt  }
0x55: {  	_ =	shalt  }
0x56: {  	_ =	shalt  }
0x57: {  	_ =	shalt  }
0x58: {  	_ =	shalt  }
0x59: {  	_ =	shalt  }
0x5a: {  	_ =	shalt  }
0x5b: {  	_ =	shalt  }
0x5c: {  	_ =	shalt  }
0x5d: {  	_ =	shalt  }
0x5e: {  	_ =	shalt  }
0x5f: {  	_ =	shalt  }
0x60: {  	_ =	shalt  }
0x61: {  	_ =	shalt  }
0x62: {  	_ =	shalt  }
0x63: {  	_ =	shalt  }
0x64: {  	_ =	shalt  }
0x65: {  	_ =	shalt  }
0x66: {  	_ =	shalt  }
0x67: {  	_ =	shalt  }
0x68: {  	_ =	shalt  }
0x69: {  	_ =	shalt  }
0x6a: {  	_ =	shalt  }
0x6b: {  	_ =	shalt  }
0x6c: {  	_ =	shalt  }
0x6d: {  	_ =	shalt  }
0x6e: {  	_ =	shalt  }
0x6f: {  	_ =	shalt  }
0x70: {  	_ =	shalt  }
0x71: {  	_ =	shalt  }
0x72: {  	_ =	shalt  }
0x73: {  	_ =	shalt  }
0x74: {  	_ =	shalt  }
0x75: {  	_ =	shalt  }
0x76: {  	_ =	shalt  }
0x77: {  	_ =	shalt  }
0x78: {  	_ =	shalt  }
0x79: {  	_ =	shalt  }
0x7a: {  	_ =	shalt  }
0x7b: {  	_ =	shalt  }
0x7c: {  	_ =	shalt  }
0x7d: {  	_ =	shalt  }
0x7e: {  	_ =	shalt  }
0x7f: {  	_ =	shalt  }
0x80: {  	_ =	shalt  }
0x81: {  	_ =	shalt  }
0x82: {  	_ =	shalt  }
0x83: {  	_ =	shalt  }
0x84: {  	_ =	shalt  }
0x85: {  	_ =	shalt  }
0x86: {  	_ =	shalt  }
0x87: {  	_ =	shalt  }
.Lfunc_end0:
.L_simem_size_0:
called_computation.2_lowered:
.L_overlay_start_0:
0x88: {  	s2 =	sld [smem:$0x3FD9]  }
0x89: {  	s3 =	sld [smem:$0x3FFE];
	_ =	sdelay $0x1  }
0x8a: {  	s1 =	srdreg.scid  }
0x8b: {  	s0 =	sand.u32 $0x1, s1  }
0x8c: {  	s17 =	sshll.u32 s0, $0xA;
	s2 =	sadd.s32 s3, s2  }
0x8d: {  	s2 =	sadd.s32 s2, s17  }
0x8e: {  	[smem:$0x3FC0] =	sst s2  }
0x8f: {  	_ = 	snop  }
0x90: {  	s2 =	sld [smem:$0x3FD0];
	(tm) =	ssettm $0x1  }
0x91: {  	s18 =	sld [smem:$0x3FFB];
	_ =	sdelay $0x3  }
0x92: {  	_ =	strace s18  }
0x93: {  	s3 =	sld [smem:$0x3FFC];
	_ =	sdelay $0x3  }
0x94: {  	_ =	strace s3  }
0x95: {  	s3 =	sld [smem:$0x3FFD];
	_ =	sdelay $0x3  }
0x96: {  	_ =	strace s3  }
0x97: {  	_ =	strace $0x8FFFFFFF  }
0x98: {  	s19 =	sld [smem:$0x3FDB];
	_ =	sdelay $0x1  }
0x99: {  	s4 =	simm.s32 $_scs_section_size  }
0x9a: {  	s5 =	simm.s32 $_size__tile_overlayer_lowered;
	s6 =	simm.s32 $_tile_overlayer_lowered  }
0x9b: {  	s22 =	simm.s32 $0x1BFF;
	s21 =	sshll.u32 s6, $0x1;
	s3 =	sadd.s32 s4, s19  }
0x9c: {  	s7 =	simm.s32 $0x0;
	s20 =	sshll.u32 s5, $0x1;
	s5 =	sadd.s32 s21, s3  }
0x9d: {  	[timem:s7], [sflag:s22] =	dma.local [hbm:s5], s20  }
0x9e: {  	_ =	swait.ge [sflag:s22], s20  }
0x9f: {  	s4 =	ssub.s32 $0x0, s20;
	[sflag:s22] =	ssyncset.done $0x0  }
0xa0: {  	[sflag:s22] =	ssyncadd.s32 s4;
	_ =	sdelay $0x1  }
0xa1: {  	s23 =	simm.s32 $0x1B8B  }
0xa2: {  	_ =	swait.ge [sflag:s23], $0x1  }
0xa3: {  	[sflag:s23] =	ssyncset.done $0x0  }
0xa4: {  	s25 =	simm.s32 $0x1B8E;
	s24 =	sld [smem:$0x3FFE];
	[sflag:s23] =	ssyncadd.s32 $0xFFFFFFFF  }
0xa5: {  	s26 =	simm.s32 $execute0_lowered;
	[smem:$0x3FD2] =	sst s25  }
0xa6: {  	s5 =	sshll.u32 s26, $0x1;
	_ =	strace $0x8000004C;
	[dreg:$0x1] =	wrdreg $0xFFFFFFFF  }
0xa7: {  	s28 =	simm.s32 $_size_execute0_lowered;
	s3 =	sadd.s32 s3, s5;
	[dreg:$0x0] =	wrdreg $0x0  }
0xa8: {  	s5 =	sshll.u32 s28, $0x1;
	[dreg:$0x2] =	wrdreg s3  }
0xa9: {  	[dreg:$0x3] =	wrdreg s5  }
0xaa: {  	[dreg:$0x4] =	wrdreg $0xC0  }
0xab: {  	_ =	task [dreg:s7], $0x5FFFF  }
0xac: {  	[dreg:$0x1] =	wrdreg $0xFFFFFFFF  }
0xad: {  	[dreg:$0x0] =	wrdreg $0x60  }
0xae: {  	[dreg:$0x2] =	wrdreg s24  }
0xaf: {  	[dreg:$0x3] =	wrdreg s2  }
0xb0: {  	[dreg:$0x4] =	wrdreg $0x190000  }
0xb1: {  	[dreg:$0x5] =	wrdreg $0x1B7100  }
0xb2: {  	[dreg:$0x6] =	wrdreg $0x9  }
0xb3: {  	_ =	task.clear_ibuf [dreg:s7], $0x7FFFF;
	_ =	strace $0x9000004C  }
0xb4: {  	s29 =	simm.s32 $0x9;
	_ =	strace $0x8000004E  }
0xb5: {  	_ =	swait.ge [sflag:s29], $0x1  }
0xb6: {  	[sflag:s29] =	ssyncadd.s32 $0xFFFFFFFF  }
0xb7: {  	_ =	strace $0x9000004E  }
0xb8: {  	_ =	sfence  }
0xb9: {  	s30 =	sld [smem:$0x0];
	_ =	sdelay $0x2  }
0xba: {  	s31 =	sshll.u32 s1, $0xD;
	s1 =	sshrl.u32 s1, $0x2  }
0xbb: {  	s3 =	sand.u32 $0x4000, s31;
	s1 =	sadd.s32 s1, s30  }
0xbc: {  	s0 =	sor.u32 s3, s0;
	s1 =	sshll.u32 s1, $0x11  }
0xbd: {  	s0 =	sor.u32 s1, s0  }
0xbe: {  	s0 =	sadd.s32 $0x8F2B, s0  }
0xbf: {  	[sflag:s0] =	ssyncadd.remote.s32 $0x1  }
0xc0: {  	_ =	sfence.sel $0xFFFF  }
0xc1: {  	[dreg:$0x0] =	wrdreg $0xFFFFFFFF;
	(pc) =	sbr.abs _section_cstart, $3  }
0xc2: {  	[dreg:$0x1] =	wrdreg $0xFFFFFFFF  }
0xc3: {  	_ =	task.clear_ibuf [dreg:s7], $0x2FFFF;
	_ =	strace $0x9FFFFFFF  }
0xc4: {  	(tm) =	ssettm $0x7FFFFFFF  }
0xc5: {  	_ =	shalt  }
tec
execute0_lowered:
.L_overlay_start_1:
0x0: {  	(tag) =	ssettag $0x1  }
0x1: {  	s17 =	rddreg [dreg:$0x0]  }
0x2: {  	s0 =	stileid.u32;
	s1 =	srdreg.scid  }
0x3: {  	s7 =	rddreg [dreg:$0x1];
	s18 =	sand.u32 $0x1, s1;
	s29 =	sshll.u32 s0, $0x1  }
0x4: {  	s2 =	rddreg [dreg:$0x2];
	s5 =	sor.u32 s18, s29  }
0x5: {  	s3 =	rddreg [dreg:$0x3];
	s8 =	smul.u32 $0x500, s5  }
0x6: {  	s4 =	simm.s32 $0x0;
	s1 =	rddreg [dreg:$0x4]  }
0x7: {  	[smem:$0x7FF] =	sst s4;
	s5 =	sadd.s32 s8, s17  }
0x8: {  	_ =	strace $0x8000004D;
	s6 =	sadd.s32 $0x13600, s5;
	s5 =	simm.s32 $0x1  }
0x9: {  	[tilespmem:s4], [sflag:$0x1] =	stream.linear.gather [hbm4b:s6+s4], $0x2800, $0x38;
	[tilespmem:$0x1DF10] =	vst v63  }
0xa: {  	s9 =	smul.u32 $0x2710, s0;
	_ =	swait.ge [sflag:s5], $0x2800  }
0xb: {  	s12 =	smul.u32 $0x2800, s0;
	s30 =	sshll.u32 s0, $0x6;
	[sflag:s5] =	ssyncset.done $0x0  }
0xc: {  	s7 =	sadd.s32 s7, s8;
	s8 =	simm.s32 $0x2800;
	[sflag:s5] =	ssyncadd.s32 $0xFFFFD800  }
0xd: {  	[tilespmem:s8], [sflag:$0x1] =	stream.linear.gather [hbm4b:s7+s4], $0x2800, $0x38;
	[tilespmem:$0x1DF10] =	vst v63  }
0xe: {  	s10 =	sshrl.u32 s9, $0x3;
	s11 =	sadd.s32 s9, s2;
	_ =	swait.ge [sflag:s5], $0x2800  }
0xf: {  	s10 =	sadd.s32 s10, s17;
	s11 =	sshrl.u32 s11, $0x3;
	[sflag:s5] =	ssyncset.done $0x0  }
0x10: {  	s9 =	sadd.s32 $0x9600, s10;
	s10 =	sor.u32 $0x1C01, s30;
	[sflag:s5] =	ssyncadd.s32 $0xFFFFD800  }
0x11: {  	[spmem:s11], [sflag:s10] =	dma.local [hbm:s9], $0x4E2  }
0x12: {  	s19 =	sshrl.u32 s12, $0x3;
	_ =	swait.ge [sflag:s5], $0x4E2  }
0x13: {  	s14 =	sadd.s32 s12, s3;
	s13 =	sadd.s32 s19, s17;
	[sflag:s5] =	ssyncset.done $0x0  }
0x14: {  	s12 =	sadd.s32 $0x4600, s13;
	s13 =	sshrl.u32 s14, $0x3;
	[sflag:s5] =	ssyncadd.s32 $0xFFFFFB1E  }
0x15: {  	[spmem:s13], [sflag:s10] =	dma.local [hbm:s12], $0x500  }
0x16: {  	_ =	swait.ge [sflag:s5], $0x500  }
0x17: {  	[sflag:s5] =	ssyncset.done $0x0  }
0x18: {  	[sflag:s5] =	ssyncadd.s32 $0xFFFFFB00  }
0x19: {  	s15 =	simm.s32 $0x5000;
	s14 =	simm.s32 $0x1400;
	[bflag:$0x0] =	sbarrier.arrive $0xFFFF  }
0x1a: {  	[tilespmem:s15], [sflag:$0x1] =	stream.indirect.gather [spmem:s2], $0x10, s4, s14, $0xb8;
	[tilespmem:$0x1DF10] =	vst v63  }
0x1b: {  	_ =	swait.ge [sflag:s5], $0x14000  }
0x1c: {  	[sflag:s5] =	ssyncset.done $0x0  }
0x1d: {  	[sflag:s5] =	ssyncadd.s32 $0xFFFEC000  }
0x1e: {  	[spmem:s3] =	stream.indirect.scatter.add.f32 [tilespmem:s15], [sflag:$0x1], $0x10, s8, s14, $0xb8;
	[tilespmem:$0x1DF10] =	vst v63  }
0x1f: {  	_ =	swait.ge [sflag:s5], $0x14000  }
0x20: {  	[sflag:s5] =	ssyncset.done $0x0  }
0x21: {  	[sflag:s5] =	ssyncadd.s32 $0xFFFEC000  }
0x22: {  	[tilespmem:s15], [sflag:$0x1] =	stream.indirect.gather [spmem:s2], $0x10, s14, s14, $0xb8;
	[tilespmem:$0x1DF10] =	vst v63  }
0x23: {  	s20 =	smul.u32 $0x5000, s18;
	s18 =	ssub.s32 $0x2, s18;
	_ =	swait.ge [sflag:s5], $0x14000  }
0x24: {  	s31 =	sshrl.u32 s18, $0x1;
	[sflag:s5] =	ssyncset.done $0x0  }
0x25: {  	s16 =	simm.s32 $0x3C00;
	s18 =	ssub.s32 s18, s31;
	[sflag:s5] =	ssyncadd.s32 $0xFFFEC000  }
0x26: {  	[spmem:s3] =	stream.indirect.scatter.add.f32 [tilespmem:s15], [sflag:$0x1], $0x10, s16, s14, $0xb8;
	[tilespmem:$0x1DF10] =	vst v63  }
0x27: {  	s18 =	smax.u32 s18, $0x1;
	_ =	swait.ge [sflag:s5], $0x14000  }
0x28: {  	s17 =	sadd.s32 s20, s17;
	p0 =	sne.s32 s18, $0x1;
	[sflag:s5] =	ssyncset.done $0x0  }
.Ltmp0:
0x29: {  	s17 =	sadd.s32 $0x1D600, s17;
	[sflag:s5] =	ssyncadd.s32 $0xFFFEC000;
	(pc) =	sbr.rel @!p0 .LBB2_2-.Ltmp0, $4  }
0x2a: {  	s17 =	sadd.s32 s19, s17;
	[bflag:$0x0] =	sbarrier.arrive $0xFFFF  }
0x2b: {  	[hbm:s17], [sflag:s10] =	dma.local [spmem:s13], $0x500  }
0x2c: {  	_ =	swait.ge [sflag:s5], $0x500  }
0x2d: {  	s18 =	sadd.s32 $0xFFFFFFFF, s18;
	[sflag:s5] =	ssyncset.done $0x0  }
.LBB2_1:
0x2e: {  	p0 =	sne.s32 s18, $0x1;
	s18 =	sadd.s32 $0xFFFFFFFF, s18;
	[sflag:s5] =	ssyncadd.s32 $0xFFFFFB00  }
0x2f: {  	[tilespmem:s4], [sflag:$0x1] =	stream.linear.gather [hbm4b:s6+s4], $0x2800, $0x38;
	[tilespmem:$0x1DF10] =	vst v63  }
0x30: {  	_ =	swait.ge [sflag:s5], $0x2800  }
0x31: {  	[sflag:s5] =	ssyncset.done $0x0  }
0x32: {  	[sflag:s5] =	ssyncadd.s32 $0xFFFFD800  }
0x33: {  	[tilespmem:s8], [sflag:$0x1] =	stream.linear.gather [hbm4b:s7+s4], $0x2800, $0x38;
	[tilespmem:$0x1DF10] =	vst v63  }
0x34: {  	_ =	swait.ge [sflag:s5], $0x2800  }
0x35: {  	[sflag:s5] =	ssyncset.done $0x0  }
0x36: {  	[sflag:s5] =	ssyncadd.s32 $0xFFFFD800  }
0x37: {  	[spmem:s11], [sflag:s10] =	dma.local [hbm:s9], $0x4E2  }
0x38: {  	_ =	swait.ge [sflag:s5], $0x4E2  }
0x39: {  	[sflag:s5] =	ssyncset.done $0x0  }
0x3a: {  	[sflag:s5] =	ssyncadd.s32 $0xFFFFFB1E  }
0x3b: {  	[spmem:s13], [sflag:s10] =	dma.local [hbm:s12], $0x500  }
0x3c: {  	_ =	swait.ge [sflag:s5], $0x500  }
0x3d: {  	[sflag:s5] =	ssyncset.done $0x0  }
0x3e: {  	[sflag:s5] =	ssyncadd.s32 $0xFFFFFB00  }
0x3f: {  	[bflag:$0x0] =	sbarrier.arrive $0xFFFF  }
0x40: {  	[tilespmem:s15], [sflag:$0x1] =	stream.indirect.gather [spmem:s2], $0x10, s4, s14, $0xb8;
	[tilespmem:$0x1DF10] =	vst v63  }
0x41: {  	_ =	swait.ge [sflag:s5], $0x14000  }
0x42: {  	[sflag:s5] =	ssyncset.done $0x0  }
0x43: {  	[sflag:s5] =	ssyncadd.s32 $0xFFFEC000  }
0x44: {  	[spmem:s3] =	stream.indirect.scatter.add.f32 [tilespmem:s15], [sflag:$0x1], $0x10, s8, s14, $0xb8;
	[tilespmem:$0x1DF10] =	vst v63  }
0x45: {  	_ =	swait.ge [sflag:s5], $0x14000  }
0x46: {  	[sflag:s5] =	ssyncset.done $0x0  }
0x47: {  	[sflag:s5] =	ssyncadd.s32 $0xFFFEC000  }
0x48: {  	[tilespmem:s15], [sflag:$0x1] =	stream.indirect.gather [spmem:s2], $0x10, s14, s14, $0xb8;
	[tilespmem:$0x1DF10] =	vst v63  }
0x49: {  	_ =	swait.ge [sflag:s5], $0x14000  }
0x4a: {  	[sflag:s5] =	ssyncset.done $0x0  }
0x4b: {  	[sflag:s5] =	ssyncadd.s32 $0xFFFEC000  }
0x4c: {  	[spmem:s3] =	stream.indirect.scatter.add.f32 [tilespmem:s15], [sflag:$0x1], $0x10, s16, s14, $0xb8;
	[tilespmem:$0x1DF10] =	vst v63  }
0x4d: {  	_ =	swait.ge [sflag:s5], $0x14000  }
0x4e: {  	[sflag:s5] =	ssyncset.done $0x0  }
.Ltmp1:
0x4f: {  	[sflag:s5] =	ssyncadd.s32 $0xFFFEC000;
	(pc) =	sbr.rel @p0 .LBB2_1-.Ltmp1, $4  }
0x50: {  	[bflag:$0x0] =	sbarrier.arrive $0xFFFF  }
0x51: {  	[hbm:s17], [sflag:s10] =	dma.local [spmem:s13], $0x500  }
0x52: {  	_ =	swait.ge [sflag:s5], $0x500  }
0x53: {  	[sflag:s5] =	ssyncset.done $0x0  }
.LBB2_2:
0x54: {  	[sflag:s5] =	ssyncadd.s32 $0xFFFFFB00  }
0x55: {  	_ =	sfence.sel $0x180000  }
0x56: {  	[bflag:$0x0] =	sbarrier.arrive $0xFFFF  }
0x57: {  	p0 =	sne.s32 s0, $0x0;
	_ =	strace $0x9000004D  }
0x58: {  	s0 =	sadd.s32 @!p0 $0x100000, s1;
	[bflag:$0x2] =	sbarrier.arrive $0xFFFF  }
0x59: {  	[sflag:s0] =	ssyncadd.tile.s32 @!p0 $0x1;
	_ =	shalt  }
.Lfunc_end2:
_tile_overlayer_lowered:
.L_overlay_start_2:
0x5a: {  	(tag) =	ssettag $0x2  }
0x5b: {  	s0 =	rddreg [dreg:$0x0];
	s2 =	stileid.u32  }
0x5c: {  	s1 =	rddreg [dreg:$0x1];
	p0 =	sne.s32 s2, $0x0  }
0x5d: {  	s3 =	rddreg [dreg:$0x2];
	[bflag:$0x3] =	sbarrier.arrive $0xFFFF;
	s2 =	simm.s32 @!p0 $0x1C01  }
0x5e: {  	[timem:s3], [sflag:s2] =	dma.local @!p0 [hbm:s0], s1  }
0x5f: {  	s0 =	simm.s32 @!p0 $0x1  }
0x60: {  	_ =	swait.ge @!p0 [sflag:s0], s1  }
0x61: {  	s1 =	ssub.s32 @!p0 $0x0, s1;
	[sflag:s0] =	ssyncset.done @!p0 $0x0  }
0x62: {  	[sflag:s0] =	ssyncadd.s32 @!p0 s1  }
0x63: {  	[bflag:$0x3] =	sbarrier.arrive $0xFFFF  }
0x64: {  	_ =	shalt  }

// kernel: kernel.19.cloned.1.call-start
scs
__scs_entry_jumppad:
0x0: {  	(pc) =	sbr.rel $0x88, $3  }
0x1: {  	(tag) =	ssettag $0x0;
	lr =	simm.s32 $0x1  }
0x2: {  	[smem:$0x3F99] =	sst lr;
	_ =	strace $0xD0000000  }
0x3: {  	_ = 	snop  }
0x4: {  	_ = 	snop  }
0x5: {  	_ = 	snop  }
0x6: {  	_ = 	snop  }
0x7: {  	_ = 	snop  }
__scs_overlays_trampoline_lowered:
0x8: {  	[smem:$0x3FA8] =	sst s0  }
0x9: {  	[smem:$0x3FA9] =	sst s1  }
0xa: {  	[smem:$0x3FAA] =	sst s2  }
0xb: {  	[smem:$0x3FAB] =	sst s3  }
0xc: {  	[smem:$0x3FAC] =	sst s4  }
0xd: {  	[smem:$0x3FAD] =	sst s5  }
0xe: {  	[smem:$0x3FAE] =	sst s6  }
0xf: {  	[smem:$0x3FAF] =	sst s7  }
0x10: {  	[smem:$0x3FB0] =	sst s8  }
0x11: {  	[smem:$0x3FB1] =	sst s9;
	s0 =	simm.s32 @!p0 $0x0  }
0x12: {  	s1 =	sld [smem:$0x3F97];
	s0 =	simm.s32 @p0 $0x1  }
0x13: {  	[smem:$0x3FB2] =	sst s0;
	s0 =	simm.s32 @!p1 $0x0  }
0x14: {  	s2 =	sld [smem:$0x3F96];
	s0 =	simm.s32 @p1 $0x1  }
0x15: {  	[smem:$0x3FB3] =	sst s0;
	s0 =	simm.s32 @!p2 $0x0  }
0x16: {  	s3 =	sld [smem:$0x3FDB];
	s0 =	simm.s32 @p2 $0x1  }
0x17: {  	s4 =	simm.s32 $0x1BF5;
	[smem:$0x3FB5] =	sst s0  }
0x18: {  	s0 =	sld [smem:$0x3F98];
	_ =	swait.ge [sflag:s4], $0x0  }
0x19: {  	s7 =	sld [smem:$0x3F99]  }
0x1a: {  	s8 =	sadd.s32 $0xFFFFE003, lr  }
0x1b: {  	s9 =	sadd.s32 $0xFFFFFEF7, lr;
	s5 =	simm.s32 $0xFFFFFFFF;
	p2 =	slt.u32 s8, $0xFFFFF086  }
0x1c: {  	p1 =	slt.u32 s9, $0xF7A;
	s5 =	simm.s32 @!p2 $0x0  }
0x1d: {  	s5 =	simm.s32 @p1 $0x1;
	p0 =	seq.s32 s7, s2  }
0x1e: {  	s7 =	smul.u32 @!p0 $0xF7A, s2;
	p2 =	seq.s32 @!p0 s5, $0x0  }
0x1f: {  	s9 =	smul.u32 $0xF7A, s1;
	s8 =	simm.s32 @!p0 $0x1BF5;
	p2 =	por !p2, p0  }
0x20: {  	[sflag:s8] =	ssyncset.s32 @!p0 $0xFFFFF086;
	s6 =	sadd.s32 @!p0 s3, s7;
	s7 =	simm.s32 @!p0 $0x108  }
0x21: {  	s3 =	sadd.s32 s3, s9;
	s6 =	sadd.s32 @!p0 $0x88, s6;
	s7 =	simm.s32 @p2 $0x1082  }
0x22: {  	[simem:s7], [sflag:s8] =	dma.local @!p0 [hbm:s6], $0xF7A  }
0x23: {  	s9 =	sor.u32 $0xD0000000, s2;
	s6 =	simm.s32 $0x108;
	_ =	swait.ge @!p0 [sflag:s8], $0x0  }
0x24: {  	s3 =	sadd.s32 $0x88, s3;
	s6 =	simm.s32 @!p1 $0x1082;
	[sflag:s4] =	ssyncset.s32 $0xFFFFF086  }
0x25: {  	[simem:s6], [sflag:s4] =	dma.local [hbm:s3], $0xF7A  }
0x26: {  	[smem:$0x3F99] =	sst s1;
	(tag) =	ssettag s2;
	_ =	strace s9  }
0x27: {  	s1 =	sld [smem:$0x3FA9]  }
0x28: {  	s2 =	sld [smem:$0x3FAA]  }
0x29: {  	s4 =	sld [smem:$0x3FAC]  }
0x2a: {  	p0 =	seq.s32 s5, $0x0;
	s5 =	sld [smem:$0x3FAD]  }
0x2b: {  	s6 =	sld [smem:$0x3FAE]  }
0x2c: {  	s7 =	sld [smem:$0x3FAF]  }
0x2d: {  	s3 =	simm.s32 $0x108;
	s8 =	sld [smem:$0x3FB0]  }
0x2e: {  	s3 =	simm.s32 @!p0 $0x1082;
	s9 =	sld [smem:$0x3FB1]  }
0x2f: {  	lr =	sadd.s32 s0, s3;
	s0 =	sld [smem:$0x3FA8]  }
0x30: {  	s3 =	sld [smem:$0x3FAB]  }
0x31: {  	[smem:$0x3FB4] =	sst s10  }
0x32: {  	s10 =	sld [smem:$0x3FB2];
	_ =	sdelay $0x3  }
0x33: {  	p0 =	seq.s32 s10, $0x1;
	s10 =	sld [smem:$0x3FB4];
	_ =	sdelay $0x3  }
0x34: {  	[smem:$0x3FB4] =	sst s10  }
0x35: {  	s10 =	sld [smem:$0x3FB3];
	_ =	sdelay $0x3  }
0x36: {  	p1 =	seq.s32 s10, $0x1;
	s10 =	sld [smem:$0x3FB4];
	_ =	sdelay $0x3  }
0x37: {  	[smem:$0x3FB4] =	sst s10  }
0x38: {  	s10 =	sld [smem:$0x3FB5]  }
0x39: {  	_ = 	snop;
	(pc) =	sbr.ind lr, $3  }
0x3a: {  	_ = 	snop  }
0x3b: {  	_ = 	snop  }
0x3c: {  	p2 =	seq.s32 s10, $0x1;
	s10 =	sld [smem:$0x3FB4]  }
0x3d: {  	_ =	shalt  }
0x3e: {  	_ =	shalt  }
0x3f: {  	_ =	shalt  }
0x40: {  	_ =	shalt  }
0x41: {  	_ =	shalt  }
0x42: {  	_ =	shalt  }
0x43: {  	_ =	shalt  }
0x44: {  	_ =	shalt  }
0x45: {  	_ =	shalt  }
0x46: {  	_ =	shalt  }
0x47: {  	_ =	shalt  }
0x48: {  	_ =	shalt  }
0x49: {  	_ =	shalt  }
0x4a: {  	_ =	shalt  }
0x4b: {  	_ =	shalt  }
0x4c: {  	_ =	shalt  }
0x4d: {  	_ =	shalt  }
0x4e: {  	_ =	shalt  }
0x4f: {  	_ =	shalt  }
0x50: {  	_ =	shalt  }
0x51: {  	_ =	shalt  }
0x52: {  	_ =	shalt  }
0x53: {  	_ =	shalt  }
0x54: {  	_ =	shalt  }
0x55: {  	_ =	shalt  }
0x56: {  	_ =	shalt  }
0x57: {  	_ =	shalt  }
0x58: {  	_ =	shalt  }
0x59: {  	_ =	shalt  }
0x5a: {  	_ =	shalt  }
0x5b: {  	_ =	shalt  }
0x5c: {  	_ =	shalt  }
0x5d: {  	_ =	shalt  }
0x5e: {  	_ =	shalt  }
0x5f: {  	_ =	shalt  }
0x60: {  	_ =	shalt  }
0x61: {  	_ =	shalt  }
0x62: {  	_ =	shalt  }
0x63: {  	_ =	shalt  }
0x64: {  	_ =	shalt  }
0x65: {  	_ =	shalt  }
0x66: {  	_ =	shalt  }
0x67: {  	_ =	shalt  }
0x68: {  	_ =	shalt  }
0x69: {  	_ =	shalt  }
0x6a: {  	_ =	shalt  }
0x6b: {  	_ =	shalt  }
0x6c: {  	_ =	shalt  }
0x6d: {  	_ =	shalt  }
0x6e: {  	_ =	shalt  }
0x6f: {  	_ =	shalt  }
0x70: {  	_ =	shalt  }
0x71: {  	_ =	shalt  }
0x72: {  	_ =	shalt  }
0x73: {  	_ =	shalt  }
0x74: {  	_ =	shalt  }
0x75: {  	_ =	shalt  }
0x76: {  	_ =	shalt  }
0x77: {  	_ =	shalt  }
0x78: {  	_ =	shalt  }
0x79: {  	_ =	shalt  }
0x7a: {  	_ =	shalt  }
0x7b: {  	_ =	shalt  }
0x7c: {  	_ =	shalt  }
0x7d: {  	_ =	shalt  }
0x7e: {  	_ =	shalt  }
0x7f: {  	_ =	shalt  }
0x80: {  	_ =	shalt  }
0x81: {  	_ =	shalt  }
0x82: {  	_ =	shalt  }
0x83: {  	_ =	shalt  }
0x84: {  	_ =	shalt  }
0x85: {  	_ =	shalt  }
0x86: {  	_ =	shalt  }
0x87: {  	_ =	shalt  }
.Lfunc_end0:
.L_simem_size_0:
called_computation.3_lowered:
.L_overlay_start_0:
0x88: {  	s2 =	sld [smem:$0x3FD9]  }
0x89: {  	s3 =	sld [smem:$0x3FFE];
	_ =	sdelay $0x1  }
0x8a: {  	s1 =	srdreg.scid  }
0x8b: {  	s0 =	sand.u32 $0x1, s1  }
0x8c: {  	s17 =	sshll.u32 s0, $0xA;
	s2 =	sadd.s32 s3, s2  }
0x8d: {  	s2 =	sadd.s32 s2, s17  }
0x8e: {  	[smem:$0x3FC0] =	sst s2  }
0x8f: {  	_ = 	snop  }
0x90: {  	s2 =	sld [smem:$0x3FD0];
	(tm) =	ssettm $0x1  }
0x91: {  	s18 =	sld [smem:$0x3FFB];
	_ =	sdelay $0x3  }
0x92: {  	_ =	strace s18  }
0x93: {  	s3 =	sld [smem:$0x3FFC];
	_ =	sdelay $0x3  }
0x94: {  	_ =	strace s3  }
0x95: {  	s3 =	sld [smem:$0x3FFD];
	_ =	sdelay $0x3  }
0x96: {  	_ =	strace s3  }
0x97: {  	_ =	strace $0x8FFFFFFF  }
0x98: {  	s19 =	sld [smem:$0x3FDB];
	_ =	sdelay $0x1  }
0x99: {  	s4 =	simm.s32 $_scs_section_size  }
0x9a: {  	s5 =	simm.s32 $_size__tile_overlayer_lowered;
	s6 =	simm.s32 $_tile_overlayer_lowered  }
0x9b: {  	s22 =	simm.s32 $0x1BFF;
	s21 =	sshll.u32 s6, $0x1;
	s3 =	sadd.s32 s4, s19  }
0x9c: {  	s7 =	simm.s32 $0x0;
	s20 =	sshll.u32 s5, $0x1;
	s5 =	sadd.s32 s21, s3  }
0x9d: {  	[timem:s7], [sflag:s22] =	dma.local [hbm:s5], s20  }
0x9e: {  	_ =	swait.ge [sflag:s22], s20  }
0x9f: {  	s4 =	ssub.s32 $0x0, s20;
	[sflag:s22] =	ssyncset.done $0x0  }
0xa0: {  	[sflag:s22] =	ssyncadd.s32 s4;
	_ =	sdelay $0x1  }
0xa1: {  	s23 =	simm.s32 $0x1B8B  }
0xa2: {  	_ =	swait.ge [sflag:s23], $0x1  }
0xa3: {  	[sflag:s23] =	ssyncset.done $0x0  }
0xa4: {  	s25 =	simm.s32 $0x1B8E;
	s24 =	sld [smem:$0x3FFE];
	[sflag:s23] =	ssyncadd.s32 $0xFFFFFFFF  }
0xa5: {  	s26 =	simm.s32 $execute0_lowered;
	[smem:$0x3FD2] =	sst s25  }
0xa6: {  	s5 =	sshll.u32 s26, $0x1;
	_ =	strace $0x8000004F;
	[dreg:$0x1] =	wrdreg $0xFFFFFFFF  }
0xa7: {  	s28 =	simm.s32 $_size_execute0_lowered;
	s3 =	sadd.s32 s3, s5;
	[dreg:$0x0] =	wrdreg $0x0  }
0xa8: {  	s5 =	sshll.u32 s28, $0x1;
	[dreg:$0x2] =	wrdreg s3  }
0xa9: {  	[dreg:$0x3] =	wrdreg s5  }
0xaa: {  	[dreg:$0x4] =	wrdreg $0xC0  }
0xab: {  	_ =	task [dreg:s7], $0x5FFFF  }
0xac: {  	[dreg:$0x1] =	wrdreg $0xFFFFFFFF  }
0xad: {  	[dreg:$0x0] =	wrdreg $0x60  }
0xae: {  	[dreg:$0x2] =	wrdreg s24  }
0xaf: {  	[dreg:$0x3] =	wrdreg s2  }
0xb0: {  	[dreg:$0x4] =	wrdreg $0x190000  }
0xb1: {  	[dreg:$0x5] =	wrdreg $0x1B7100  }
0xb2: {  	[dreg:$0x6] =	wrdreg $0x9  }
0xb3: {  	_ =	task.clear_ibuf [dreg:s7], $0x7FFFF;
	_ =	strace $0x9000004F  }
0xb4: {  	s29 =	simm.s32 $0x9;
	_ =	strace $0x80000051  }
0xb5: {  	_ =	swait.ge [sflag:s29], $0x1  }
0xb6: {  	[sflag:s29] =	ssyncadd.s32 $0xFFFFFFFF  }
0xb7: {  	_ =	strace $0x90000051  }
0xb8: {  	_ =	sfence  }
0xb9: {  	s30 =	sld [smem:$0x0];
	_ =	sdelay $0x2  }
0xba: {  	s31 =	sshll.u32 s1, $0xD;
	s1 =	sshrl.u32 s1, $0x2  }
0xbb: {  	s3 =	sand.u32 $0x4000, s31;
	s1 =	sadd.s32 s1, s30  }
0xbc: {  	s0 =	sor.u32 s3, s0;
	s1 =	sshll.u32 s1, $0x11  }
0xbd: {  	s0 =	sor.u32 s1, s0  }
0xbe: {  	s0 =	sadd.s32 $0x8F2B, s0  }
0xbf: {  	[sflag:s0] =	ssyncadd.remote.s32 $0x1  }
0xc0: {  	_ =	sfence.sel $0xFFFF  }
0xc1: {  	[dreg:$0x0] =	wrdreg $0xFFFFFFFF;
	(pc) =	sbr.abs _section_cstart, $3  }
0xc2: {  	[dreg:$0x1] =	wrdreg $0xFFFFFFFF  }
0xc3: {  	_ =	task.clear_ibuf [dreg:s7], $0x2FFFF;
	_ =	strace $0x9FFFFFFF  }
0xc4: {  	(tm) =	ssettm $0x7FFFFFFF  }
0xc5: {  	_ =	shalt  }
tec
execute0_lowered:
.L_overlay_start_1:
0x0: {  	(tag) =	ssettag $0x1  }
0x1: {  	s17 =	rddreg [dreg:$0x0]  }
0x2: {  	s0 =	stileid.u32;
	s1 =	srdreg.scid  }
0x3: {  	s7 =	rddreg [dreg:$0x1];
	s18 =	sand.u32 $0x1, s1;
	s29 =	sshll.u32 s0, $0x1  }
0x4: {  	s2 =	rddreg [dreg:$0x2];
	s5 =	sor.u32 s18, s29  }
0x5: {  	s3 =	rddreg [dreg:$0x3];
	s8 =	smul.u32 $0x500, s5  }
0x6: {  	s4 =	simm.s32 $0x0;
	s1 =	rddreg [dreg:$0x4]  }
0x7: {  	[smem:$0x7FF] =	sst s4;
	s5 =	sadd.s32 s8, s17  }
0x8: {  	_ =	strace $0x80000050;
	s6 =	sadd.s32 $0x13600, s5;
	s5 =	simm.s32 $0x1  }
0x9: {  	[tilespmem:s4], [sflag:$0x1] =	stream.linear.gather [hbm4b:s6+s4], $0x2800, $0x38;
	[tilespmem:$0x1DF10] =	vst v63  }
0xa: {  	s9 =	smul.u32 $0x2710, s0;
	_ =	swait.ge [sflag:s5], $0x2800  }
0xb: {  	s12 =	smul.u32 $0x2800, s0;
	s30 =	sshll.u32 s0, $0x6;
	[sflag:s5] =	ssyncset.done $0x0  }
0xc: {  	s7 =	sadd.s32 s7, s8;
	s8 =	simm.s32 $0x2800;
	[sflag:s5] =	ssyncadd.s32 $0xFFFFD800  }
0xd: {  	[tilespmem:s8], [sflag:$0x1] =	stream.linear.gather [hbm4b:s7+s4], $0x2800, $0x38;
	[tilespmem:$0x1DF10] =	vst v63  }
0xe: {  	s10 =	sshrl.u32 s9, $0x3;
	s11 =	sadd.s32 s9, s2;
	_ =	swait.ge [sflag:s5], $0x2800  }
0xf: {  	s10 =	sadd.s32 s10, s17;
	s11 =	sshrl.u32 s11, $0x3;
	[sflag:s5] =	ssyncset.done $0x0  }
0x10: {  	s9 =	sadd.s32 $0x9600, s10;
	s10 =	sor.u32 $0x1C01, s30;
	[sflag:s5] =	ssyncadd.s32 $0xFFFFD800  }
0x11: {  	[spmem:s11], [sflag:s10] =	dma.local [hbm:s9], $0x4E2  }
0x12: {  	s19 =	sshrl.u32 s12, $0x3;
	_ =	swait.ge [sflag:s5], $0x4E2  }
0x13: {  	s14 =	sadd.s32 s12, s3;
	s13 =	sadd.s32 s19, s17;
	[sflag:s5] =	ssyncset.done $0x0  }
0x14: {  	s12 =	sadd.s32 $0x4600, s13;
	s13 =	sshrl.u32 s14, $0x3;
	[sflag:s5] =	ssyncadd.s32 $0xFFFFFB1E  }
0x15: {  	[spmem:s13], [sflag:s10] =	dma.local [hbm:s12], $0x500  }
0x16: {  	_ =	swait.ge [sflag:s5], $0x500  }
0x17: {  	[sflag:s5] =	ssyncset.done $0x0  }
0x18: {  	[sflag:s5] =	ssyncadd.s32 $0xFFFFFB00  }
0x19: {  	s15 =	simm.s32 $0x5000;
	s14 =	simm.s32 $0x1400;
	[bflag:$0x0] =	sbarrier.arrive $0xFFFF  }
0x1a: {  	[tilespmem:s15], [sflag:$0x1] =	stream.indirect.gather [spmem:s2], $0x10, s4, s14, $0xb8;
	[tilespmem:$0x1DF10] =	vst v63  }
0x1b: {  	_ =	swait.ge [sflag:s5], $0x14000  }
0x1c: {  	[sflag:s5] =	ssyncset.done $0x0  }
0x1d: {  	[sflag:s5] =	ssyncadd.s32 $0xFFFEC000  }
0x1e: {  	[spmem:s3] =	stream.indirect.scatter.add.f32 [tilespmem:s15], [sflag:$0x1], $0x10, s8, s14, $0xb8;
	[tilespmem:$0x1DF10] =	vst v63  }
0x1f: {  	_ =	swait.ge [sflag:s5], $0x14000  }
0x20: {  	[sflag:s5] =	ssyncset.done $0x0  }
0x21: {  	[sflag:s5] =	ssyncadd.s32 $0xFFFEC000  }
0x22: {  	[tilespmem:s15], [sflag:$0x1] =	stream.indirect.gather [spmem:s2], $0x10, s14, s14, $0xb8;
	[tilespmem:$0x1DF10] =	vst v63  }
0x23: {  	s20 =	smul.u32 $0x5000, s18;
	s18 =	ssub.s32 $0x2, s18;
	_ =	swait.ge [sflag:s5], $0x14000  }
0x24: {  	s31 =	sshrl.u32 s18, $0x1;
	[sflag:s5] =	ssyncset.done $0x0  }
0x25: {  	s16 =	simm.s32 $0x3C00;
	s18 =	ssub.s32 s18, s31;
	[sflag:s5] =	ssyncadd.s32 $0xFFFEC000  }
0x26: {  	[spmem:s3] =	stream.indirect.scatter.add.f32 [tilespmem:s15], [sflag:$0x1], $0x10, s16, s14, $0xb8;
	[tilespmem:$0x1DF10] =	vst v63  }
0x27: {  	s18 =	smax.u32 s18, $0x1;
	_ =	swait.ge [sflag:s5], $0x14000  }
0x28: {  	s17 =	sadd.s32 s20, s17;
	p0 =	sne.s32 s18, $0x1;
	[sflag:s5] =	ssyncset.done $0x0  }
.Ltmp0:
0x29: {  	s17 =	sadd.s32 $0x1D600, s17;
	[sflag:s5] =	ssyncadd.s32 $0xFFFEC000;
	(pc) =	sbr.rel @!p0 .LBB2_2-.Ltmp0, $4  }
0x2a: {  	s17 =	sadd.s32 s19, s17;
	[bflag:$0x0] =	sbarrier.arrive $0xFFFF  }
0x2b: {  	[hbm:s17], [sflag:s10] =	dma.local [spmem:s13], $0x500  }
0x2c: {  	_ =	swait.ge [sflag:s5], $0x500  }
0x2d: {  	s18 =	sadd.s32 $0xFFFFFFFF, s18;
	[sflag:s5] =	ssyncset.done $0x0  }
.LBB2_1:
0x2e: {  	p0 =	sne.s32 s18, $0x1;
	s18 =	sadd.s32 $0xFFFFFFFF, s18;
	[sflag:s5] =	ssyncadd.s32 $0xFFFFFB00  }
0x2f: {  	[tilespmem:s4], [sflag:$0x1] =	stream.linear.gather [hbm4b:s6+s4], $0x2800, $0x38;
	[tilespmem:$0x1DF10] =	vst v63  }
0x30: {  	_ =	swait.ge [sflag:s5], $0x2800  }
0x31: {  	[sflag:s5] =	ssyncset.done $0x0  }
0x32: {  	[sflag:s5] =	ssyncadd.s32 $0xFFFFD800  }
0x33: {  	[tilespmem:s8], [sflag:$0x1] =	stream.linear.gather [hbm4b:s7+s4], $0x2800, $0x38;
	[tilespmem:$0x1DF10] =	vst v63  }
0x34: {  	_ =	swait.ge [sflag:s5], $0x2800  }
0x35: {  	[sflag:s5] =	ssyncset.done $0x0  }
0x36: {  	[sflag:s5] =	ssyncadd.s32 $0xFFFFD800  }
0x37: {  	[spmem:s11], [sflag:s10] =	dma.local [hbm:s9], $0x4E2  }
0x38: {  	_ =	swait.ge [sflag:s5], $0x4E2  }
0x39: {  	[sflag:s5] =	ssyncset.done $0x0  }
0x3a: {  	[sflag:s5] =	ssyncadd.s32 $0xFFFFFB1E  }
0x3b: {  	[spmem:s13], [sflag:s10] =	dma.local [hbm:s12], $0x500  }
0x3c: {  	_ =	swait.ge [sflag:s5], $0x500  }
0x3d: {  	[sflag:s5] =	ssyncset.done $0x0  }
0x3e: {  	[sflag:s5] =	ssyncadd.s32 $0xFFFFFB00  }
0x3f: {  	[bflag:$0x0] =	sbarrier.arrive $0xFFFF  }
0x40: {  	[tilespmem:s15], [sflag:$0x1] =	stream.indirect.gather [spmem:s2], $0x10, s4, s14, $0xb8;
	[tilespmem:$0x1DF10] =	vst v63  }
0x41: {  	_ =	swait.ge [sflag:s5], $0x14000  }
0x42: {  	[sflag:s5] =	ssyncset.done $0x0  }
0x43: {  	[sflag:s5] =	ssyncadd.s32 $0xFFFEC000  }
0x44: {  	[spmem:s3] =	stream.indirect.scatter.add.f32 [tilespmem:s15], [sflag:$0x1], $0x10, s8, s14, $0xb8;
	[tilespmem:$0x1DF10] =	vst v63  }
0x45: {  	_ =	swait.ge [sflag:s5], $0x14000  }
0x46: {  	[sflag:s5] =	ssyncset.done $0x0  }
0x47: {  	[sflag:s5] =	ssyncadd.s32 $0xFFFEC000  }
0x48: {  	[tilespmem:s15], [sflag:$0x1] =	stream.indirect.gather [spmem:s2], $0x10, s14, s14, $0xb8;
	[tilespmem:$0x1DF10] =	vst v63  }
0x49: {  	_ =	swait.ge [sflag:s5], $0x14000  }
0x4a: {  	[sflag:s5] =	ssyncset.done $0x0  }
0x4b: {  	[sflag:s5] =	ssyncadd.s32 $0xFFFEC000  }
0x4c: {  	[spmem:s3] =	stream.indirect.scatter.add.f32 [tilespmem:s15], [sflag:$0x1], $0x10, s16, s14, $0xb8;
	[tilespmem:$0x1DF10] =	vst v63  }
0x4d: {  	_ =	swait.ge [sflag:s5], $0x14000  }
0x4e: {  	[sflag:s5] =	ssyncset.done $0x0  }
.Ltmp1:
0x4f: {  	[sflag:s5] =	ssyncadd.s32 $0xFFFEC000;
	(pc) =	sbr.rel @p0 .LBB2_1-.Ltmp1, $4  }
0x50: {  	[bflag:$0x0] =	sbarrier.arrive $0xFFFF  }
0x51: {  	[hbm:s17], [sflag:s10] =	dma.local [spmem:s13], $0x500  }
0x52: {  	_ =	swait.ge [sflag:s5], $0x500  }
0x53: {  	[sflag:s5] =	ssyncset.done $0x0  }
.LBB2_2:
0x54: {  	[sflag:s5] =	ssyncadd.s32 $0xFFFFFB00  }
0x55: {  	_ =	sfence.sel $0x180000  }
0x56: {  	[bflag:$0x0] =	sbarrier.arrive $0xFFFF  }
0x57: {  	p0 =	sne.s32 s0, $0x0;
	_ =	strace $0x90000050  }
0x58: {  	s0 =	sadd.s32 @!p0 $0x100000, s1;
	[bflag:$0x2] =	sbarrier.arrive $0xFFFF  }
0x59: {  	[sflag:s0] =	ssyncadd.tile.s32 @!p0 $0x1;
	_ =	shalt  }
.Lfunc_end2:
_tile_overlayer_lowered:
.L_overlay_start_2:
0x5a: {  	(tag) =	ssettag $0x2  }
0x5b: {  	s0 =	rddreg [dreg:$0x0];
	s2 =	stileid.u32  }
0x5c: {  	s1 =	rddreg [dreg:$0x1];
	p0 =	sne.s32 s2, $0x0  }
0x5d: {  	s3 =	rddreg [dreg:$0x2];
	[bflag:$0x3] =	sbarrier.arrive $0xFFFF;
	s2 =	simm.s32 @!p0 $0x1C01  }
0x5e: {  	[timem:s3], [sflag:s2] =	dma.local @!p0 [hbm:s0], s1  }
0x5f: {  	s0 =	simm.s32 @!p0 $0x1  }
0x60: {  	_ =	swait.ge @!p0 [sflag:s0], s1  }
0x61: {  	s1 =	ssub.s32 @!p0 $0x0, s1;
	[sflag:s0] =	ssyncset.done @!p0 $0x0  }
0x62: {  	[sflag:s0] =	ssyncadd.s32 @!p0 s1  }
0x63: {  	[bflag:$0x3] =	sbarrier.arrive $0xFFFF  }
0x64: {  	_ =	shalt  }

</sc_bundles>
